<compile_context>
chip_gen: v7x
topology: tpu7x:2x2x1
jax: 0.10.2.dev20260603
libtpu: 0.0.44.dev20260713+nightly
codegen_flags: <defaults>
</compile_context>

<pallas_src>
import functools
from math import ceil

import jax
import jax.numpy as jnp
from jax import lax
from jax.experimental import pallas as pl

B, N, A = 8, 16384, 40
K = ceil(N / A)
KP = 416
HID = 192
HEADS = 6
DEPTH = 6
SH2 = 7
SH3 = 49
NT = B * A
CPB = 16
NEG = -1e30


def _bf(x):
    return x.astype(jnp.bfloat16).astype(jnp.float32)


def _pe_args(v, basis):
    return jnp.dot(_bf(v), _bf(basis), precision=lax.Precision.HIGHEST,
                   preferred_element_type=jnp.float32)


def _edge_kernel(nbr_ref, ctr_ref, basis_ref, w1_ref, b1_ref, w2_ref,
                 b2_ref, out_ref):
    basis = basis_ref[...]
    w1 = w1_ref[...]
    b1 = b1_ref[...]
    w2 = w2_ref[...]
    b2 = b2_ref[...]
    rowid = lax.broadcasted_iota(jnp.int32, (KP, 256), 0)
    valid = rowid < K
    rel = jnp.concatenate(
        [nbr_ref[0, i * KP:(i + 1) * KP, :] - ctr_ref[0, i, :]
         for i in range(CPB)], axis=0)
    p = _pe_args(rel, basis)
    feat = jnp.concatenate([rel, jnp.sin(p), jnp.cos(p)], axis=-1)
    l1 = jnp.dot(feat, w1, preferred_element_type=jnp.float32) + b1
    l1 = jnp.maximum(l1, 0.0)
    h = jnp.dot(l1, w2, preferred_element_type=jnp.float32) + b2
    for i in range(CPB):
        hc = jnp.where(valid, h[i * KP:(i + 1) * KP, :], NEG)
        out_ref[0, i, :] = jnp.max(hc, axis=0)


def _edge_agg(nbr, centers, basis, loc1_w, loc1_b, loc2_w, loc2_b):
    g = NT // CPB
    nbr_r = nbr.reshape(g, CPB * KP, 3)
    ctr_r = centers.reshape(g, CPB, 3)
    b1 = loc1_b.reshape(1, -1)
    b2 = loc2_b.reshape(1, -1)
    full = lambda a: pl.BlockSpec(a.shape, lambda i: (0,) * a.ndim)
    return pl.pallas_call(
        _edge_kernel,
        grid=(g,),
        in_specs=[
            pl.BlockSpec((1, CPB * KP, 3), lambda i: (i, 0, 0)),
            pl.BlockSpec((1, CPB, 3), lambda i: (i, 0, 0)),
            full(basis), full(loc1_w), full(b1), full(loc2_w), full(b2),
        ],
        out_specs=pl.BlockSpec((1, CPB, 256), lambda i: (i, 0, 0)),
        out_shape=jax.ShapeDtypeStruct((g, CPB, 256), jnp.float32),
    )(nbr_r, ctr_r, basis, loc1_w, b1, loc2_w, b2).reshape(NT, 256)


TN = 4096


def _d2_kernel(ctr_ref, pct_ref, out_ref):
    c = ctr_ref[0]
    p = pct_ref[0]
    acc = None
    for d in range(3):
        diff = c[:, d:d + 1] - p[d:d + 1, :]
        sq = diff * diff
        acc = sq if acc is None else acc + sq
    out_ref[0] = acc


def _d2(pc, centers):
    pct = pc.transpose(0, 2, 1)
    ctr = centers.reshape(B, A, 3)
    return pl.pallas_call(
        _d2_kernel,
        grid=(B, N // TN),
        in_specs=[
            pl.BlockSpec((1, A, 3), lambda b, j: (b, 0, 0)),
            pl.BlockSpec((1, 3, TN), lambda b, j: (b, 0, j)),
        ],
        out_specs=pl.BlockSpec((1, A, TN), lambda b, j: (b, 0, j)),
        out_shape=jax.ShapeDtypeStruct((B, A, N), jnp.float32),
    )(ctr, pct)


def _glob_kernel(agg_ref, w1_ref, b1_ref, w2_ref, b2_ref, out_ref):
    dot = functools.partial(jnp.dot, preferred_element_type=jnp.float32)
    x = jnp.maximum(dot(agg_ref[...], w1_ref[...]) + b1_ref[...], 0.0)
    out_ref[...] = dot(x, w2_ref[...]) + b2_ref[...]


def _glob(agg, w1, b1, w2, b2):
    return pl.pallas_call(
        _glob_kernel,
        out_shape=jax.ShapeDtypeStruct((NT, HID), jnp.float32),
    )(agg, w1, b1.reshape(1, -1), w2, b2.reshape(1, -1))


def _pe_embed(x, basis):
    p = x @ basis
    return jnp.concatenate([jnp.sin(p), jnp.cos(p)], axis=-1)


def _linear(x, w, b=None):
    y = x @ w
    return y + b if b is not None else y


def _layernorm(x, g, b, eps=1e-6):
    m = x.mean(-1, keepdims=True)
    v = ((x - m) ** 2).mean(-1, keepdims=True)
    return (x - m) / jnp.sqrt(v + eps) * g + b


def _attention(x, p):
    Bt, T, C = x.shape
    hd = C // HEADS
    qkv = _linear(x, p['qkv_w'], p['qkv_b']).reshape(
        Bt, T, 3, HEADS, hd).transpose(2, 0, 3, 1, 4)
    q, k, v = qkv[0], qkv[1], qkv[2]
    a = jax.nn.softmax((q @ k.transpose(0, 1, 3, 2)) * (hd ** -0.5), axis=-1)
    o = (a @ v).transpose(0, 2, 1, 3).reshape(Bt, T, C)
    return _linear(o, p['proj_w'], p['proj_b'])


def _block(x, p):
    h = x + p['g1'] * _attention(_layernorm(x, p['ln1_g'], p['ln1_b']), p)
    m = _linear(jax.nn.gelu(_linear(_layernorm(h, p['ln2_g'], p['ln2_b']),
                                    p['fc1_w'], p['fc1_b'])),
                p['fc2_w'], p['fc2_b'])
    return h + p['g2'] * m


def _transformer(x, pe, params):
    h = x + pe
    for p in params['blocks']:
        h = _block(h, p)
    return _layernorm(h, params['ln_f_g'], params['ln_f_b'])


def kernel(pc, idx, params, basis):
    pos = pc.reshape(B * N, 3)
    idx_flat = (idx + jnp.arange(B)[:, None] * N).reshape(-1)
    centers = pos[idx_flat]
    d2 = _d2(pc, centers)
    _, nn_idx = lax.top_k(-d2, K)
    src = (nn_idx + jnp.arange(B)[:, None, None] * N).reshape(NT, K)
    nbr = pos[src]
    nbr = jnp.pad(nbr, ((0, 0), (0, KP - K), (0, 0)))

    agg = _edge_agg(nbr, centers, basis,
                    params['loc1_w'], params['loc1_b'],
                    params['loc2_w'], params['loc2_b'])
    x = _glob(agg, params['glob1_w'], params['glob1_b'],
              params['glob2_w'], params['glob2_b'])

    x = x.reshape(B, A, HID)
    center = centers.reshape(B, A, 3)

    def embed_in(v):
        return _linear(jnp.concatenate([v, _pe_embed(v, basis)], axis=-1),
                       params['embed_w'], params['embed_b'])

    ce = embed_in(center)
    x = _transformer(x, ce, params)
    dxyz = _linear(_layernorm(x, params['lnx_g'], params['lnx_b']),
                   params['xyz_w'])
    de = embed_in(dxyz)
    x = _transformer(x, ce + de, params)
    dtxyz = _linear(_layernorm(x, params['lnt_g'], params['lnt_b']),
                    params['txyz_w'])
    te = embed_in(dtxyz)
    x = _transformer(x, ce + de + te, params)
    sh2 = _linear(_layernorm(x, params['ln2d_g'], params['ln2d_b']),
                  params['sh2d_w'])
    s2e = _linear(sh2, params['sh2emb_w'], params['sh2emb_b'])
    x = _transformer(x, ce + de + te + s2e, params)
    sh3 = _linear(_layernorm(x, params['ln3d_g'], params['ln3d_b']),
                  params['sh3d_w'])
    return jnp.concatenate([center + dxyz, center + dtxyz, sh2, sh3],
                           axis=-1)

# --- scband reference (transcript-rebuilt; emitter-appended) ---
"""Pipeline reference for scband-asdfencoder-40157944218215 (READ-ONLY COPY).

The authoritative reference and input builder live on the scoring server;
editing this copy changes nothing except your own understanding.
"""

import jax, jax.numpy as jnp
import numpy as np
from math import ceil

B, N, A = 8, 16384, 40
HID = 192; HEADS = 6; DEPTH = 6; DFF = 768
SH2 = 7; SH3 = 49

def make_basis():
    e = (2.0 ** np.arange(8)) * np.pi
    z = np.zeros(8)
    b = np.stack([np.concatenate([e, z, z]), np.concatenate([z, e, z]), np.concatenate([z, z, e])])
    return jnp.asarray(b, dtype=jnp.float32)

def pe_embed(x, basis):
    p = x @ basis
    return jnp.concatenate([jnp.sin(p), jnp.cos(p)], axis=-1)

def linear(x, w, b=None):
    y = x @ w
    return y + b if b is not None else y

def layernorm(x, g, b, eps=1e-6):
    m = x.mean(-1, keepdims=True)
    v = ((x - m) ** 2).mean(-1, keepdims=True)
    return (x - m) / jnp.sqrt(v + eps) * g + b

def attention(x, p):
    Bt, T, C = x.shape
    hd = C // HEADS
    qkv = linear(x, p['qkv_w'], p['qkv_b']).reshape(Bt, T, 3, HEADS, hd).transpose(2, 0, 3, 1, 4)
    q, k, v = qkv[0], qkv[1], qkv[2]
    a = jax.nn.softmax((q @ k.transpose(0, 1, 3, 2)) * (hd ** -0.5), axis=-1)
    o = (a @ v).transpose(0, 2, 1, 3).reshape(Bt, T, C)
    return linear(o, p['proj_w'], p['proj_b'])

def block(x, p):
    h = x + p['g1'] * attention(layernorm(x, p['ln1_g'], p['ln1_b']), p)
    m = linear(jax.nn.gelu(linear(layernorm(h, p['ln2_g'], p['ln2_b']), p['fc1_w'], p['fc1_b'])), p['fc2_w'], p['fc2_b'])
    return h + p['g2'] * m

def transformer(x, pe, params):
    h = x + pe
    for p in params['blocks']:
        h = block(h, p)
    return layernorm(h, params['ln_f_g'], params['ln_f_b'])

def forward(pc, idx, params, basis):
    Bb, Nn, _ = pc.shape
    pos = pc.reshape(Bb * Nn, 3)
    idx_flat = (idx + jnp.arange(Bb)[:, None] * Nn).reshape(-1)
    centers = pos[idx_flat]
    k = ceil(Nn / A)
    c = centers.reshape(Bb, A, 3)
    d2 = jnp.sum((c[:, :, None, :] - pc[:, None, :, :]) ** 2, axis=-1)
    _, nn_idx = jax.lax.top_k(-d2, k)
    src = (nn_idx + jnp.arange(Bb)[:, None, None] * Nn).reshape(-1)
    dst = jnp.repeat(jnp.arange(Bb * A), k)
    rel = pos[src] - centers[dst]
    feat = jnp.concatenate([rel, pe_embed(rel, basis)], axis=-1)
    h = linear(jax.nn.relu(linear(feat, params['loc1_w'], params['loc1_b'])), params['loc2_w'], params['loc2_b'])
    agg = jax.ops.segment_max(h, dst, num_segments=Bb * A)
    x = linear(jax.nn.relu(linear(agg, params['glob1_w'], params['glob1_b'])), params['glob2_w'], params['glob2_b'])
    x = x.reshape(Bb, A, HID)
    center = centers.reshape(Bb, A, 3)
    def embed_in(v):
        return linear(jnp.concatenate([v, pe_embed(v, basis)], axis=-1), params['embed_w'], params['embed_b'])
    ce = embed_in(center)
    x = transformer(x, ce, params)
    dxyz = linear(layernorm(x, params['lnx_g'], params['lnx_b']), params['xyz_w'])
    de = embed_in(dxyz)
    x = transformer(x, ce + de, params)
    dtxyz = linear(layernorm(x, params['lnt_g'], params['lnt_b']), params['txyz_w'])
    te = embed_in(dtxyz)
    x = transformer(x, ce + de + te, params)
    sh2 = linear(layernorm(x, params['ln2d_g'], params['ln2d_b']), params['sh2d_w'])
    s2e = linear(sh2, params['sh2emb_w'], params['sh2emb_b'])
    x = transformer(x, ce + de + te + s2e, params)
    sh3 = linear(layernorm(x, params['ln3d_g'], params['ln3d_b']), params['sh3d_w'])
    return jnp.concatenate([center + dxyz, center + dtxyz, sh2, sh3], axis=-1)

def glorot(key, shape):
    s = (2.0 / (shape[0] + shape[1])) ** 0.5
    return jax.random.normal(key, shape, dtype=jnp.float32) * s

def setup_inputs(seed: int = 0):
    key = jax.random.key(seed)
    ks = iter(jax.random.split(key, 64))
    nk = lambda: next(ks)
    pc = jax.random.normal(nk(), (B, N, 3), dtype=jnp.float32)
    idx = jax.random.randint(nk(), (B, A), 0, N)
    basis = make_basis()
    blocks = []
    for _ in range(DEPTH):
        blocks.append({
            'ln1_g': jnp.ones(HID), 'ln1_b': jnp.zeros(HID),
            'qkv_w': glorot(nk(), (HID, 3 * HID)), 'qkv_b': jnp.zeros(3 * HID),
            'proj_w': glorot(nk(), (HID, HID)), 'proj_b': jnp.zeros(HID),
            'ln2_g': jnp.ones(HID), 'ln2_b': jnp.zeros(HID),
            'fc1_w': glorot(nk(), (HID, DFF)), 'fc1_b': jnp.zeros(DFF),
            'fc2_w': glorot(nk(), (DFF, HID)), 'fc2_b': jnp.zeros(HID),
            'g1': jnp.full((HID,), 0.1), 'g2': jnp.full((HID,), 0.1),
        })
    params = {
        'blocks': blocks,
        'ln_f_g': jnp.ones(HID), 'ln_f_b': jnp.zeros(HID),
        'embed_w': glorot(nk(), (51, HID)), 'embed_b': jnp.zeros(HID),
        'loc1_w': glorot(nk(), (51, 256)), 'loc1_b': jnp.zeros(256),
        'loc2_w': glorot(nk(), (256, 256)), 'loc2_b': jnp.zeros(256),
        'glob1_w': glorot(nk(), (256, 256)), 'glob1_b': jnp.zeros(256),
        'glob2_w': glorot(nk(), (256, HID)), 'glob2_b': jnp.zeros(HID),
        'lnx_g': jnp.ones(HID), 'lnx_b': jnp.zeros(HID),
        'xyz_w': glorot(nk(), (HID, 3)),
        'lnt_g': jnp.ones(HID), 'lnt_b': jnp.zeros(HID),
        'txyz_w': glorot(nk(), (HID, 3)),
        'ln2d_g': jnp.ones(HID), 'ln2d_b': jnp.zeros(HID),
        'sh2d_w': glorot(nk(), (HID, SH2)),
        'sh2emb_w': glorot(nk(), (SH2, HID)), 'sh2emb_b': jnp.zeros(HID),
        'ln3d_g': jnp.ones(HID), 'ln3d_b': jnp.zeros(HID),
        'sh3d_w': glorot(nk(), (HID, SH3)),
    }
    return {'pc': pc, 'idx': idx, 'params': params, 'basis': basis}

def reference(pc, idx, params, basis):
    return forward(pc, idx, params, basis)

if __name__ == "__main__":
    import jax
    _d = setup_inputs()
    print(jax.jit(kernel)(*tuple(_d.values())))

</pallas_src>

<mosaic_0001>
module attributes {stable_mosaic.version = 14 : i64} {
  func.func @_d2_kernel(%arg0: i32, %arg1: i32, %arg2: memref<1x40x3xf32, #tpu.memory_space<vmem>>, %arg3: memref<1x3x4096xf32, #tpu.memory_space<vmem>>, %arg4: memref<1x40x4096xf32, #tpu.memory_space<vmem>>) attributes {dimension_semantics = [#tpu.dimension_semantics<arbitrary>, #tpu.dimension_semantics<arbitrary>], iteration_bounds = array<i64: 8, 4>, scalar_prefetch = 0 : i64, scratch_operands = 0 : i64, tpu.core_type = #tpu.core_type<tc>, window_params = [{transform_indices = @transform_0, window_bounds = array<i64: 1, 40, 3>}, {transform_indices = @transform_1, window_bounds = array<i64: 1, 3, 4096>}, {transform_indices = @transform_2, window_bounds = array<i64: 1, 40, 4096>}]} {
    %get3A = arith.constant 0 : index
    %get3A_0 = arith.constant 0 : index
    %get3A_1 = arith.constant 0 : index
    %get3A_2 = vector.load %arg2[%get3A, %get3A_0, %get3A_1] : memref<1x40x3xf32, #tpu.memory_space<vmem>>, vector<1x40x3xf32>
    %get3A_3 = vector.shape_cast %get3A_2 : vector<1x40x3xf32> to vector<40x3xf32>
    %get3A_4 = arith.constant 0 : index
    %get3A_5 = arith.constant 0 : index
    %get3A_6 = arith.constant 0 : index
    %get3A_7 = vector.load %arg3[%get3A_4, %get3A_5, %get3A_6] : memref<1x3x4096xf32, #tpu.memory_space<vmem>>, vector<1x3x4096xf32>
    %get3A_8 = vector.shape_cast %get3A_7 : vector<1x3x4096xf32> to vector<3x4096xf32>
    %slice3A = vector.extract_strided_slice %get3A_3 {offsets = [0, 0], sizes = [40, 1], strides = [1, 1]} : vector<40x3xf32> to vector<40x1xf32>
    %slice3A_9 = vector.extract_strided_slice %get3A_8 {offsets = [0, 0], sizes = [1, 4096], strides = [1, 1]} : vector<3x4096xf32> to vector<1x4096xf32>
    %sub3A = vector.broadcast %slice3A : vector<40x1xf32> to vector<40x4096xf32>
    %sub3A_10 = vector.broadcast %slice3A_9 : vector<1x4096xf32> to vector<40x4096xf32>
    %sub3A_11 = arith.subf %sub3A, %sub3A_10 : vector<40x4096xf32>
    %mul3A = arith.mulf %sub3A_11, %sub3A_11 : vector<40x4096xf32>
    %slice3A_12 = vector.extract_strided_slice %get3A_3 {offsets = [0, 1], sizes = [40, 1], strides = [1, 1]} : vector<40x3xf32> to vector<40x1xf32>
    %slice3A_13 = vector.extract_strided_slice %get3A_8 {offsets = [1, 0], sizes = [1, 4096], strides = [1, 1]} : vector<3x4096xf32> to vector<1x4096xf32>
    %sub3A_14 = vector.broadcast %slice3A_12 : vector<40x1xf32> to vector<40x4096xf32>
    %sub3A_15 = vector.broadcast %slice3A_13 : vector<1x4096xf32> to vector<40x4096xf32>
    %sub3A_16 = arith.subf %sub3A_14, %sub3A_15 : vector<40x4096xf32>
    %mul3A_17 = arith.mulf %sub3A_16, %sub3A_16 : vector<40x4096xf32>
    %add3A = arith.addf %mul3A, %mul3A_17 : vector<40x4096xf32>
    %slice3A_18 = vector.extract_strided_slice %get3A_3 {offsets = [0, 2], sizes = [40, 1], strides = [1, 1]} : vector<40x3xf32> to vector<40x1xf32>
    %slice3A_19 = vector.extract_strided_slice %get3A_8 {offsets = [2, 0], sizes = [1, 4096], strides = [1, 1]} : vector<3x4096xf32> to vector<1x4096xf32>
    %sub3A_20 = vector.broadcast %slice3A_18 : vector<40x1xf32> to vector<40x4096xf32>
    %sub3A_21 = vector.broadcast %slice3A_19 : vector<1x4096xf32> to vector<40x4096xf32>
    %sub3A_22 = arith.subf %sub3A_20, %sub3A_21 : vector<40x4096xf32>
    %mul3A_23 = arith.mulf %sub3A_22, %sub3A_22 : vector<40x4096xf32>
    %add3A_24 = arith.addf %add3A, %mul3A_23 : vector<40x4096xf32>
    %swap3A = arith.constant 0 : index
    %swap3A_25 = arith.constant 0 : index
    %swap3A_26 = arith.constant 0 : index
    %swap3A_27 = vector.load %arg4[%swap3A, %swap3A_25, %swap3A_26] : memref<1x40x4096xf32, #tpu.memory_space<vmem>>, vector<1x40x4096xf32>
    %swap3A_28 = vector.shape_cast %swap3A_27 : vector<1x40x4096xf32> to vector<40x4096xf32>
    %swap3A_29 = vector.shape_cast %add3A_24 : vector<40x4096xf32> to vector<1x40x4096xf32>
    tpu.vector_store %arg4[%swap3A, %swap3A_25, %swap3A_26], %swap3A_29 {strides = array<i32>} : memref<1x40x4096xf32, #tpu.memory_space<vmem>>, vector<1x40x4096xf32>,
    return
  }
  func.func @transform_0(%arg0: i32, %arg1: i32) -> (i32, i32, i32) {
    %c0_i32 = arith.constant 0 : i32
    %c0_i32_0 = arith.constant 0 : i32
    %c0_i32_1 = arith.constant 0 : i32
    return %arg0, %c0_i32, %c0_i32_0 : i32, i32, i32
  }
  func.func @transform_1(%arg0: i32, %arg1: i32) -> (i32, i32, i32) {
    %c0_i32 = arith.constant 0 : i32
    %c0_i32_0 = arith.constant 0 : i32
    return %arg0, %c0_i32, %arg1 : i32, i32, i32
  }
  func.func @transform_2(%arg0: i32, %arg1: i32) -> (i32, i32, i32) {
    %c0_i32 = arith.constant 0 : i32
    %c0_i32_0 = arith.constant 0 : i32
    return %arg0, %c0_i32, %arg1 : i32, i32, i32
  }
}

module attributes {stable_mosaic.version = 14 : i64} {
  func.func @_edge_kernel(%arg0: i32, %arg1: memref<1x6656x3xf32, #tpu.memory_space<vmem>>, %arg2: memref<1x16x3xf32, #tpu.memory_space<vmem>>, %arg3: memref<3x24xf32, #tpu.memory_space<vmem>>, %arg4: memref<51x256xf32, #tpu.memory_space<vmem>>, %arg5: memref<1x256xf32, #tpu.memory_space<vmem>>, %arg6: memref<256x256xf32, #tpu.memory_space<vmem>>, %arg7: memref<1x256xf32, #tpu.memory_space<vmem>>, %arg8: memref<1x16x256xf32, #tpu.memory_space<vmem>>) attributes {dimension_semantics = [#tpu.dimension_semantics<arbitrary>], iteration_bounds = array<i64: 20>, scalar_prefetch = 0 : i64, scratch_operands = 0 : i64, tpu.core_type = #tpu.core_type<tc>, window_params = [{transform_indices = @transform_0, window_bounds = array<i64: 1, 6656, 3>}, {transform_indices = @transform_1, window_bounds = array<i64: 1, 16, 3>}, {pipeline_mode = #tpu.pipeline_mode<synchronous>, transform_indices = @transform_2, window_bounds = array<i64: 3, 24>}, {pipeline_mode = #tpu.pipeline_mode<synchronous>, transform_indices = @transform_3, window_bounds = array<i64: 51, 256>}, {pipeline_mode = #tpu.pipeline_mode<synchronous>, transform_indices = @transform_4, window_bounds = array<i64: 1, 256>}, {pipeline_mode = #tpu.pipeline_mode<synchronous>, transform_indices = @transform_5, window_bounds = array<i64: 256, 256>}, {pipeline_mode = #tpu.pipeline_mode<synchronous>, transform_indices = @transform_6, window_bounds = array<i64: 1, 256>}, {transform_indices = @transform_7, window_bounds = array<i64: 1, 16, 256>}]} {
    %get3A = arith.constant 0 : index
    %get3A_0 = arith.constant 0 : index
    %get3A_1 = vector.load %arg3[%get3A, %get3A_0] : memref<3x24xf32, #tpu.memory_space<vmem>>, vector<3x24xf32>
    %get3A_2 = arith.constant 0 : index
    %get3A_3 = arith.constant 0 : index
    %get3A_4 = vector.load %arg4[%get3A_2, %get3A_3] : memref<51x256xf32, #tpu.memory_space<vmem>>, vector<51x256xf32>
    %get3A_5 = arith.constant 0 : index
    %get3A_6 = arith.constant 0 : index
    %get3A_7 = vector.load %arg5[%get3A_5, %get3A_6] : memref<1x256xf32, #tpu.memory_space<vmem>>, vector<1x256xf32>
    %get3A_8 = arith.constant 0 : index
    %get3A_9 = arith.constant 0 : index
    %get3A_10 = vector.load %arg6[%get3A_8, %get3A_9] : memref<256x256xf32, #tpu.memory_space<vmem>>, vector<256x256xf32>
    %get3A_11 = arith.constant 0 : index
    %get3A_12 = arith.constant 0 : index
    %get3A_13 = vector.load %arg7[%get3A_11, %get3A_12] : memref<1x256xf32, #tpu.memory_space<vmem>>, vector<1x256xf32>
    %iota3A = tpu.iota {dimensions = array<i32: 0>} : vector<416x256xi32>
    %lt3A = arith.constant 410 : i32
    %lt3A_14 = vector.broadcast %lt3A : i32 to vector<416x256xi32>
    %lt3A_15 = arith.cmpi slt, %iota3A, %lt3A_14 : vector<416x256xi32>
    %get3A_16 = arith.constant 0 : index
    %get3A_17 = arith.constant 0 : index
    %get3A_18 = arith.constant 0 : index
    %get3A_19 = vector.load %arg1[%get3A_16, %get3A_17, %get3A_18] : memref<1x6656x3xf32, #tpu.memory_space<vmem>>, vector<1x416x3xf32>
    %get3A_20 = vector.shape_cast %get3A_19 : vector<1x416x3xf32> to vector<416x3xf32>
    %get3A_21 = arith.constant 0 : index
    %get3A_22 = arith.constant 0 : index
    %get3A_23 = arith.constant 0 : index
    %get3A_24 = vector.load %arg2[%get3A_21, %get3A_22, %get3A_23] : memref<1x16x3xf32, #tpu.memory_space<vmem>>, vector<1x1x3xf32>
    %get3A_25 = vector.shape_cast %get3A_24 : vector<1x1x3xf32> to vector<3xf32>
    %broadcast_in_dim3A = vector.shape_cast %get3A_25 : vector<3xf32> to vector<1x3xf32>
    %sub3A = vector.broadcast %broadcast_in_dim3A : vector<1x3xf32> to vector<416x3xf32>
    %sub3A_26 = arith.subf %get3A_20, %sub3A : vector<416x3xf32>
    %get3A_27 = arith.constant 0 : index
    %get3A_28 = arith.constant 416 : index
    %get3A_29 = arith.constant 0 : index
    %get3A_30 = vector.load %arg1[%get3A_27, %get3A_28, %get3A_29] : memref<1x6656x3xf32, #tpu.memory_space<vmem>>, vector<1x416x3xf32>
    %get3A_31 = vector.shape_cast %get3A_30 : vector<1x416x3xf32> to vector<416x3xf32>
    %get3A_32 = arith.constant 0 : index
    %get3A_33 = arith.constant 1 : index
    %get3A_34 = arith.constant 0 : index
    %get3A_35 = vector.load %arg2[%get3A_32, %get3A_33, %get3A_34] : memref<1x16x3xf32, #tpu.memory_space<vmem>>, vector<1x1x3xf32>
    %get3A_36 = vector.shape_cast %get3A_35 : vector<1x1x3xf32> to vector<3xf32>
    %broadcast_in_dim3A_37 = vector.shape_cast %get3A_36 : vector<3xf32> to vector<1x3xf32>
    %sub3A_38 = vector.broadcast %broadcast_in_dim3A_37 : vector<1x3xf32> to vector<416x3xf32>
    %sub3A_39 = arith.subf %get3A_31, %sub3A_38 : vector<416x3xf32>
    %get3A_40 = arith.constant 0 : index
    %get3A_41 = arith.constant 832 : index
    %get3A_42 = arith.constant 0 : index
    %get3A_43 = vector.load %arg1[%get3A_40, %get3A_41, %get3A_42] : memref<1x6656x3xf32, #tpu.memory_space<vmem>>, vector<1x416x3xf32>
    %get3A_44 = vector.shape_cast %get3A_43 : vector<1x416x3xf32> to vector<416x3xf32>
    %get3A_45 = arith.constant 0 : index
    %get3A_46 = arith.constant 2 : index
    %get3A_47 = arith.constant 0 : index
    %get3A_48 = vector.load %arg2[%get3A_45, %get3A_46, %get3A_47] : memref<1x16x3xf32, #tpu.memory_space<vmem>>, vector<1x1x3xf32>
    %get3A_49 = vector.shape_cast %get3A_48 : vector<1x1x3xf32> to vector<3xf32>
    %broadcast_in_dim3A_50 = vector.shape_cast %get3A_49 : vector<3xf32> to vector<1x3xf32>
    %sub3A_51 = vector.broadcast %broadcast_in_dim3A_50 : vector<1x3xf32> to vector<416x3xf32>
    %sub3A_52 = arith.subf %get3A_44, %sub3A_51 : vector<416x3xf32>
    %get3A_53 = arith.constant 0 : index
    %get3A_54 = arith.constant 1248 : index
    %get3A_55 = arith.constant 0 : index
    %get3A_56 = vector.load %arg1[%get3A_53, %get3A_54, %get3A_55] : memref<1x6656x3xf32, #tpu.memory_space<vmem>>, vector<1x416x3xf32>
    %get3A_57 = vector.shape_cast %get3A_56 : vector<1x416x3xf32> to vector<416x3xf32>
    %get3A_58 = arith.constant 0 : index
    %get3A_59 = arith.constant 3 : index
    %get3A_60 = arith.constant 0 : index
    %get3A_61 = vector.load %arg2[%get3A_58, %get3A_59, %get3A_60] : memref<1x16x3xf32, #tpu.memory_space<vmem>>, vector<1x1x3xf32>
    %get3A_62 = vector.shape_cast %get3A_61 : vector<1x1x3xf32> to vector<3xf32>
    %broadcast_in_dim3A_63 = vector.shape_cast %get3A_62 : vector<3xf32> to vector<1x3xf32>
    %sub3A_64 = vector.broadcast %broadcast_in_dim3A_63 : vector<1x3xf32> to vector<416x3xf32>
    %sub3A_65 = arith.subf %get3A_57, %sub3A_64 : vector<416x3xf32>
    %get3A_66 = arith.constant 0 : index
    %get3A_67 = arith.constant 1664 : index
    %get3A_68 = arith.constant 0 : index
    %get3A_69 = vector.load %arg1[%get3A_66, %get3A_67, %get3A_68] : memref<1x6656x3xf32, #tpu.memory_space<vmem>>, vector<1x416x3xf32>
    %get3A_70 = vector.shape_cast %get3A_69 : vector<1x416x3xf32> to vector<416x3xf32>
    %get3A_71 = arith.constant 0 : index
    %get3A_72 = arith.constant 4 : index
    %get3A_73 = arith.constant 0 : index
    %get3A_74 = vector.load %arg2[%get3A_71, %get3A_72, %get3A_73] : memref<1x16x3xf32, #tpu.memory_space<vmem>>, vector<1x1x3xf32>
    %get3A_75 = vector.shape_cast %get3A_74 : vector<1x1x3xf32> to vector<3xf32>
    %broadcast_in_dim3A_76 = vector.shape_cast %get3A_75 : vector<3xf32> to vector<1x3xf32>
    %sub3A_77 = vector.broadcast %broadcast_in_dim3A_76 : vector<1x3xf32> to vector<416x3xf32>
    %sub3A_78 = arith.subf %get3A_70, %sub3A_77 : vector<416x3xf32>
    %get3A_79 = arith.constant 0 : index
    %get3A_80 = arith.constant 2080 : index
    %get3A_81 = arith.constant 0 : index
    %get3A_82 = vector.load %arg1[%get3A_79, %get3A_80, %get3A_81] : memref<1x6656x3xf32, #tpu.memory_space<vmem>>, vector<1x416x3xf32>
    %get3A_83 = vector.shape_cast %get3A_82 : vector<1x416x3xf32> to vector<416x3xf32>
    %get3A_84 = arith.constant 0 : index
    %get3A_85 = arith.constant 5 : index
    %get3A_86 = arith.constant 0 : index
    %get3A_87 = vector.load %arg2[%get3A_84, %get3A_85, %get3A_86] : memref<1x16x3xf32, #tpu.memory_space<vmem>>, vector<1x1x3xf32>
    %get3A_88 = vector.shape_cast %get3A_87 : vector<1x1x3xf32> to vector<3xf32>
    %broadcast_in_dim3A_89 = vector.shape_cast %get3A_88 : vector<3xf32> to vector<1x3xf32>
    %sub3A_90 = vector.broadcast %broadcast_in_dim3A_89 : vector<1x3xf32> to vector<416x3xf32>
    %sub3A_91 = arith.subf %get3A_83, %sub3A_90 : vector<416x3xf32>
    %get3A_92 = arith.constant 0 : index
    %get3A_93 = arith.constant 2496 : index
    %get3A_94 = arith.constant 0 : index
    %get3A_95 = vector.load %arg1[%get3A_92, %get3A_93, %get3A_94] : memref<1x6656x3xf32, #tpu.memory_space<vmem>>, vector<1x416x3xf32>
    %get3A_96 = vector.shape_cast %get3A_95 : vector<1x416x3xf32> to vector<416x3xf32>
    %get3A_97 = arith.constant 0 : index
    %get3A_98 = arith.constant 6 : index
    %get3A_99 = arith.constant 0 : index
    %get3A_100 = vector.load %arg2[%get3A_97, %get3A_98, %get3A_99] : memref<1x16x3xf32, #tpu.memory_space<vmem>>, vector<1x1x3xf32>
    %get3A_101 = vector.shape_cast %get3A_100 : vector<1x1x3xf32> to vector<3xf32>
    %broadcast_in_dim3A_102 = vector.shape_cast %get3A_101 : vector<3xf32> to vector<1x3xf32>
    %sub3A_103 = vector.broadcast %broadcast_in_dim3A_102 : vector<1x3xf32> to vector<416x3xf32>
    %sub3A_104 = arith.subf %get3A_96, %sub3A_103 : vector<416x3xf32>
    %get3A_105 = arith.constant 0 : index
    %get3A_106 = arith.constant 2912 : index
    %get3A_107 = arith.constant 0 : index
    %get3A_108 = vector.load %arg1[%get3A_105, %get3A_106, %get3A_107] : memref<1x6656x3xf32, #tpu.memory_space<vmem>>, vector<1x416x3xf32>
    %get3A_109 = vector.shape_cast %get3A_108 : vector<1x416x3xf32> to vector<416x3xf32>
    %get3A_110 = arith.constant 0 : index
    %get3A_111 = arith.constant 7 : index
    %get3A_112 = arith.constant 0 : index
    %get3A_113 = vector.load %arg2[%get3A_110, %get3A_111, %get3A_112] : memref<1x16x3xf32, #tpu.memory_space<vmem>>, vector<1x1x3xf32>
    %get3A_114 = vector.shape_cast %get3A_113 : vector<1x1x3xf32> to vector<3xf32>
    %broadcast_in_dim3A_115 = vector.shape_cast %get3A_114 : vector<3xf32> to vector<1x3xf32>
    %sub3A_116 = vector.broadcast %broadcast_in_dim3A_115 : vector<1x3xf32> to vector<416x3xf32>
    %sub3A_117 = arith.subf %get3A_109, %sub3A_116 : vector<416x3xf32>
    %get3A_118 = arith.constant 0 : index
    %get3A_119 = arith.constant 3328 : index
    %get3A_120 = arith.constant 0 : index
    %get3A_121 = vector.load %arg1[%get3A_118, %get3A_119, %get3A_120] : memref<1x6656x3xf32, #tpu.memory_space<vmem>>, vector<1x416x3xf32>
    %get3A_122 = vector.shape_cast %get3A_121 : vector<1x416x3xf32> to vector<416x3xf32>
    %get3A_123 = arith.constant 0 : index
    %get3A_124 = arith.constant 8 : index
    %get3A_125 = arith.constant 0 : index
    %get3A_126 = vector.load %arg2[%get3A_123, %get3A_124, %get3A_125] : memref<1x16x3xf32, #tpu.memory_space<vmem>>, vector<1x1x3xf32>
    %get3A_127 = vector.shape_cast %get3A_126 : vector<1x1x3xf32> to vector<3xf32>
    %broadcast_in_dim3A_128 = vector.shape_cast %get3A_127 : vector<3xf32> to vector<1x3xf32>
    %sub3A_129 = vector.broadcast %broadcast_in_dim3A_128 : vector<1x3xf32> to vector<416x3xf32>
    %sub3A_130 = arith.subf %get3A_122, %sub3A_129 : vector<416x3xf32>
    %get3A_131 = arith.constant 0 : index
    %get3A_132 = arith.constant 3744 : index
    %get3A_133 = arith.constant 0 : index
    %get3A_134 = vector.load %arg1[%get3A_131, %get3A_132, %get3A_133] : memref<1x6656x3xf32, #tpu.memory_space<vmem>>, vector<1x416x3xf32>
    %get3A_135 = vector.shape_cast %get3A_134 : vector<1x416x3xf32> to vector<416x3xf32>
    %get3A_136 = arith.constant 0 : index
    %get3A_137 = arith.constant 9 : index
    %get3A_138 = arith.constant 0 : index
    %get3A_139 = vector.load %arg2[%get3A_136, %get3A_137, %get3A_138] : memref<1x16x3xf32, #tpu.memory_space<vmem>>, vector<1x1x3xf32>
    %get3A_140 = vector.shape_cast %get3A_139 : vector<1x1x3xf32> to vector<3xf32>
    %broadcast_in_dim3A_141 = vector.shape_cast %get3A_140 : vector<3xf32> to vector<1x3xf32>
    %sub3A_142 = vector.broadcast %broadcast_in_dim3A_141 : vector<1x3xf32> to vector<416x3xf32>
    %sub3A_143 = arith.subf %get3A_135, %sub3A_142 : vector<416x3xf32>
    %get3A_144 = arith.constant 0 : index
    %get3A_145 = arith.constant 4160 : index
    %get3A_146 = arith.constant 0 : index
    %get3A_147 = vector.load %arg1[%get3A_144, %get3A_145, %get3A_146] : memref<1x6656x3xf32, #tpu.memory_space<vmem>>, vector<1x416x3xf32>
    %get3A_148 = vector.shape_cast %get3A_147 : vector<1x416x3xf32> to vector<416x3xf32>
    %get3A_149 = arith.constant 0 : index
    %get3A_150 = arith.constant 10 : index
    %get3A_151 = arith.constant 0 : index
    %get3A_152 = vector.load %arg2[%get3A_149, %get3A_150, %get3A_151] : memref<1x16x3xf32, #tpu.memory_space<vmem>>, vector<1x1x3xf32>
    %get3A_153 = vector.shape_cast %get3A_152 : vector<1x1x3xf32> to vector<3xf32>
    %broadcast_in_dim3A_154 = vector.shape_cast %get3A_153 : vector<3xf32> to vector<1x3xf32>
    %sub3A_155 = vector.broadcast %broadcast_in_dim3A_154 : vector<1x3xf32> to vector<416x3xf32>
    %sub3A_156 = arith.subf %get3A_148, %sub3A_155 : vector<416x3xf32>
    %get3A_157 = arith.constant 0 : index
    %get3A_158 = arith.constant 4576 : index
    %get3A_159 = arith.constant 0 : index
    %get3A_160 = vector.load %arg1[%get3A_157, %get3A_158, %get3A_159] : memref<1x6656x3xf32, #tpu.memory_space<vmem>>, vector<1x416x3xf32>
    %get3A_161 = vector.shape_cast %get3A_160 : vector<1x416x3xf32> to vector<416x3xf32>
    %get3A_162 = arith.constant 0 : index
    %get3A_163 = arith.constant 11 : index
    %get3A_164 = arith.constant 0 : index
    %get3A_165 = vector.load %arg2[%get3A_162, %get3A_163, %get3A_164] : memref<1x16x3xf32, #tpu.memory_space<vmem>>, vector<1x1x3xf32>
    %get3A_166 = vector.shape_cast %get3A_165 : vector<1x1x3xf32> to vector<3xf32>
    %broadcast_in_dim3A_167 = vector.shape_cast %get3A_166 : vector<3xf32> to vector<1x3xf32>
    %sub3A_168 = vector.broadcast %broadcast_in_dim3A_167 : vector<1x3xf32> to vector<416x3xf32>
    %sub3A_169 = arith.subf %get3A_161, %sub3A_168 : vector<416x3xf32>
    %get3A_170 = arith.constant 0 : index
    %get3A_171 = arith.constant 4992 : index
    %get3A_172 = arith.constant 0 : index
    %get3A_173 = vector.load %arg1[%get3A_170, %get3A_171, %get3A_172] : memref<1x6656x3xf32, #tpu.memory_space<vmem>>, vector<1x416x3xf32>
    %get3A_174 = vector.shape_cast %get3A_173 : vector<1x416x3xf32> to vector<416x3xf32>
    %get3A_175 = arith.constant 0 : index
    %get3A_176 = arith.constant 12 : index
    %get3A_177 = arith.constant 0 : index
    %get3A_178 = vector.load %arg2[%get3A_175, %get3A_176, %get3A_177] : memref<1x16x3xf32, #tpu.memory_space<vmem>>, vector<1x1x3xf32>
    %get3A_179 = vector.shape_cast %get3A_178 : vector<1x1x3xf32> to vector<3xf32>
    %broadcast_in_dim3A_180 = vector.shape_cast %get3A_179 : vector<3xf32> to vector<1x3xf32>
    %sub3A_181 = vector.broadcast %broadcast_in_dim3A_180 : vector<1x3xf32> to vector<416x3xf32>
    %sub3A_182 = arith.subf %get3A_174, %sub3A_181 : vector<416x3xf32>
    %get3A_183 = arith.constant 0 : index
    %get3A_184 = arith.constant 5408 : index
    %get3A_185 = arith.constant 0 : index
    %get3A_186 = vector.load %arg1[%get3A_183, %get3A_184, %get3A_185] : memref<1x6656x3xf32, #tpu.memory_space<vmem>>, vector<1x416x3xf32>
    %get3A_187 = vector.shape_cast %get3A_186 : vector<1x416x3xf32> to vector<416x3xf32>
    %get3A_188 = arith.constant 0 : index
    %get3A_189 = arith.constant 13 : index
    %get3A_190 = arith.constant 0 : index
    %get3A_191 = vector.load %arg2[%get3A_188, %get3A_189, %get3A_190] : memref<1x16x3xf32, #tpu.memory_space<vmem>>, vector<1x1x3xf32>
    %get3A_192 = vector.shape_cast %get3A_191 : vector<1x1x3xf32> to vector<3xf32>
    %broadcast_in_dim3A_193 = vector.shape_cast %get3A_192 : vector<3xf32> to vector<1x3xf32>
    %sub3A_194 = vector.broadcast %broadcast_in_dim3A_193 : vector<1x3xf32> to vector<416x3xf32>
    %sub3A_195 = arith.subf %get3A_187, %sub3A_194 : vector<416x3xf32>
    %get3A_196 = arith.constant 0 : index
    %get3A_197 = arith.constant 5824 : index
    %get3A_198 = arith.constant 0 : index
    %get3A_199 = vector.load %arg1[%get3A_196, %get3A_197, %get3A_198] : memref<1x6656x3xf32, #tpu.memory_space<vmem>>, vector<1x416x3xf32>
    %get3A_200 = vector.shape_cast %get3A_199 : vector<1x416x3xf32> to vector<416x3xf32>
    %get3A_201 = arith.constant 0 : index
    %get3A_202 = arith.constant 14 : index
    %get3A_203 = arith.constant 0 : index
    %get3A_204 = vector.load %arg2[%get3A_201, %get3A_202, %get3A_203] : memref<1x16x3xf32, #tpu.memory_space<vmem>>, vector<1x1x3xf32>
    %get3A_205 = vector.shape_cast %get3A_204 : vector<1x1x3xf32> to vector<3xf32>
    %broadcast_in_dim3A_206 = vector.shape_cast %get3A_205 : vector<3xf32> to vector<1x3xf32>
    %sub3A_207 = vector.broadcast %broadcast_in_dim3A_206 : vector<1x3xf32> to vector<416x3xf32>
    %sub3A_208 = arith.subf %get3A_200, %sub3A_207 : vector<416x3xf32>
    %get3A_209 = arith.constant 0 : index
    %get3A_210 = arith.constant 6240 : index
    %get3A_211 = arith.constant 0 : index
    %get3A_212 = vector.load %arg1[%get3A_209, %get3A_210, %get3A_211] : memref<1x6656x3xf32, #tpu.memory_space<vmem>>, vector<1x416x3xf32>
    %get3A_213 = vector.shape_cast %get3A_212 : vector<1x416x3xf32> to vector<416x3xf32>
    %get3A_214 = arith.constant 0 : index
    %get3A_215 = arith.constant 15 : index
    %get3A_216 = arith.constant 0 : index
    %get3A_217 = vector.load %arg2[%get3A_214, %get3A_215, %get3A_216] : memref<1x16x3xf32, #tpu.memory_space<vmem>>, vector<1x1x3xf32>
    %get3A_218 = vector.shape_cast %get3A_217 : vector<1x1x3xf32> to vector<3xf32>
    %broadcast_in_dim3A_219 = vector.shape_cast %get3A_218 : vector<3xf32> to vector<1x3xf32>
    %sub3A_220 = vector.broadcast %broadcast_in_dim3A_219 : vector<1x3xf32> to vector<416x3xf32>
    %sub3A_221 = arith.subf %get3A_213, %sub3A_220 : vector<416x3xf32>
    %concatenate3A = tpu.concatenate %sub3A_26, %sub3A_39, %sub3A_52, %sub3A_65, %sub3A_78, %sub3A_91, %sub3A_104, %sub3A_117, %sub3A_130, %sub3A_143, %sub3A_156, %sub3A_169, %sub3A_182, %sub3A_195, %sub3A_208, %sub3A_221 in 0 : vector<416x3xf32>, vector<416x3xf32>, vector<416x3xf32>, vector<416x3xf32>, vector<416x3xf32>, vector<416x3xf32>, vector<416x3xf32>, vector<416x3xf32>, vector<416x3xf32>, vector<416x3xf32>, vector<416x3xf32>, vector<416x3xf32>, vector<416x3xf32>, vector<416x3xf32>, vector<416x3xf32>, vector<416x3xf32> -> vector<6656x3xf32>
    %convert_element_type3A = arith.truncf %concatenate3A : vector<6656x3xf32> to vector<6656x3xbf16>
    %convert_element_type3A_222 = arith.extf %convert_element_type3A : vector<6656x3xbf16> to vector<6656x3xf32>
    %convert_element_type3A_223 = arith.truncf %get3A_1 : vector<3x24xf32> to vector<3x24xbf16>
    %convert_element_type3A_224 = arith.extf %convert_element_type3A_223 : vector<3x24xbf16> to vector<3x24xf32>
    %dot_general3A = arith.constant dense<0.000000e+00> : vector<6656x24xf32>
    %dot_general3A_225 = tpu.matmul %convert_element_type3A_222, %convert_element_type3A_224, %dot_general3A {dimension_numbers = #tpu.dot_dimension_numbers<[1], [0], [0], [1], [0, 0, 1, 1], [], []>, precision = #tpu.contract_precision<fp32>, transpose_lhs_hint = false} : vector<6656x3xf32>, vector<3x24xf32>, vector<6656x24xf32> -> vector<6656x24xf32>
    %sin3A = math.sin %dot_general3A_225 : vector<6656x24xf32>
    %cos3A = math.cos %dot_general3A_225 : vector<6656x24xf32>
    %concatenate3A_226 = tpu.concatenate %concatenate3A, %sin3A, %cos3A in 1 : vector<6656x3xf32>, vector<6656x24xf32>, vector<6656x24xf32> -> vector<6656x51xf32>
    %dot_general3A_227 = arith.constant dense<0.000000e+00> : vector<6656x256xf32>
    %dot_general3A_228 = tpu.matmul %concatenate3A_226, %get3A_4, %dot_general3A_227 {dimension_numbers = #tpu.dot_dimension_numbers<[1], [0], [0], [1], [0, 0, 1, 1], [], []>, transpose_lhs_hint = false} : vector<6656x51xf32>, vector<51x256xf32>, vector<6656x256xf32> -> vector<6656x256xf32>
    %add3A = vector.broadcast %get3A_7 : vector<1x256xf32> to vector<6656x256xf32>
    %add3A_229 = arith.addf %dot_general3A_228, %add3A : vector<6656x256xf32>
    %max3A = arith.constant 0.000000e+00 : f32
    %max3A_230 = vector.broadcast %max3A : f32 to vector<6656x256xf32>
    %max3A_231 = arith.maximumf %add3A_229, %max3A_230 : vector<6656x256xf32>
    %dot_general3A_232 = arith.constant dense<0.000000e+00> : vector<6656x256xf32>
    %dot_general3A_233 = tpu.matmul %max3A_231, %get3A_10, %dot_general3A_232 {dimension_numbers = #tpu.dot_dimension_numbers<[1], [0], [0], [1], [0, 0, 1, 1], [], []>, transpose_lhs_hint = false} : vector<6656x256xf32>, vector<256x256xf32>, vector<6656x256xf32> -> vector<6656x256xf32>
    %add3A_234 = vector.broadcast %get3A_13 : vector<1x256xf32> to vector<6656x256xf32>
    %add3A_235 = arith.addf %dot_general3A_233, %add3A_234 : vector<6656x256xf32>
    %slice3A = vector.extract_strided_slice %add3A_235 {offsets = [0, 0], sizes = [416, 256], strides = [1, 1]} : vector<6656x256xf32> to vector<416x256xf32>
    %jit3A = arith.constant -1.000000e+30 : f32
    %broadcast_in_dim3A_236 = vector.broadcast %jit3A : f32 to vector<416x256xf32>
    %select_n3A = arith.select %lt3A_15, %slice3A, %broadcast_in_dim3A_236 : vector<416x256xi1>, vector<416x256xf32>
    %reduce_max3A = arith.constant dense<0xFF800000> : vector<256xf32>
    %reduce_max3A_237 = vector.multi_reduction <maximumf>, %select_n3A, %reduce_max3A [0] : vector<416x256xf32> to vector<256xf32>
    %swap3A = arith.constant 0 : index
    %swap3A_238 = arith.constant 0 : index
    %swap3A_239 = arith.constant 0 : index
    %swap3A_240 = vector.load %arg8[%swap3A, %swap3A_238, %swap3A_239] : memref<1x16x256xf32, #tpu.memory_space<vmem>>, vector<1x1x256xf32>
    %swap3A_241 = vector.shape_cast %swap3A_240 : vector<1x1x256xf32> to vector<256xf32>
    %swap3A_242 = vector.shape_cast %reduce_max3A_237 : vector<256xf32> to vector<1x1x256xf32>
    tpu.vector_store %arg8[%swap3A, %swap3A_238, %swap3A_239], %swap3A_242 {strides = array<i32>} : memref<1x16x256xf32, #tpu.memory_space<vmem>>, vector<1x1x256xf32>,
    %slice3A_243 = vector.extract_strided_slice %add3A_235 {offsets = [416, 0], sizes = [416, 256], strides = [1, 1]} : vector<6656x256xf32> to vector<416x256xf32>
    %jit3A_244 = arith.constant -1.000000e+30 : f32
    %broadcast_in_dim3A_245 = vector.broadcast %jit3A_244 : f32 to vector<416x256xf32>
    %select_n3A_246 = arith.select %lt3A_15, %slice3A_243, %broadcast_in_dim3A_245 : vector<416x256xi1>, vector<416x256xf32>
    %reduce_max3A_247 = arith.constant dense<0xFF800000> : vector<256xf32>
    %reduce_max3A_248 = vector.multi_reduction <maximumf>, %select_n3A_246, %reduce_max3A_247 [0] : vector<416x256xf32> to vector<256xf32>
    %swap3A_249 = arith.constant 0 : index
    %swap3A_250 = arith.constant 1 : index
    %swap3A_251 = arith.constant 0 : index
    %swap3A_252 = vector.load %arg8[%swap3A_249, %swap3A_250, %swap3A_251] : memref<1x16x256xf32, #tpu.memory_space<vmem>>, vector<1x1x256xf32>
    %swap3A_253 = vector.shape_cast %swap3A_252 : vector<1x1x256xf32> to vector<256xf32>
    %swap3A_254 = vector.shape_cast %reduce_max3A_248 : vector<256xf32> to vector<1x1x256xf32>
    tpu.vector_store %arg8[%swap3A_249, %swap3A_250, %swap3A_251], %swap3A_254 {strides = array<i32>} : memref<1x16x256xf32, #tpu.memory_space<vmem>>, vector<1x1x256xf32>,
    %slice3A_255 = vector.extract_strided_slice %add3A_235 {offsets = [832, 0], sizes = [416, 256], strides = [1, 1]} : vector<6656x256xf32> to vector<416x256xf32>
    %jit3A_256 = arith.constant -1.000000e+30 : f32
    %broadcast_in_dim3A_257 = vector.broadcast %jit3A_256 : f32 to vector<416x256xf32>
    %select_n3A_258 = arith.select %lt3A_15, %slice3A_255, %broadcast_in_dim3A_257 : vector<416x256xi1>, vector<416x256xf32>
    %reduce_max3A_259 = arith.constant dense<0xFF800000> : vector<256xf32>
    %reduce_max3A_260 = vector.multi_reduction <maximumf>, %select_n3A_258, %reduce_max3A_259 [0] : vector<416x256xf32> to vector<256xf32>
    %swap3A_261 = arith.constant 0 : index
    %swap3A_262 = arith.constant 2 : index
    %swap3A_263 = arith.constant 0 : index
    %swap3A_264 = vector.load %arg8[%swap3A_261, %swap3A_262, %swap3A_263] : memref<1x16x256xf32, #tpu.memory_space<vmem>>, vector<1x1x256xf32>
    %swap3A_265 = vector.shape_cast %swap3A_264 : vector<1x1x256xf32> to vector<256xf32>
    %swap3A_266 = vector.shape_cast %reduce_max3A_260 : vector<256xf32> to vector<1x1x256xf32>
    tpu.vector_store %arg8[%swap3A_261, %swap3A_262, %swap3A_263], %swap3A_266 {strides = array<i32>} : memref<1x16x256xf32, #tpu.memory_space<vmem>>, vector<1x1x256xf32>,
    %slice3A_267 = vector.extract_strided_slice %add3A_235 {offsets = [1248, 0], sizes = [416, 256], strides = [1, 1]} : vector<6656x256xf32> to vector<416x256xf32>
    %jit3A_268 = arith.constant -1.000000e+30 : f32
    %broadcast_in_dim3A_269 = vector.broadcast %jit3A_268 : f32 to vector<416x256xf32>
    %select_n3A_270 = arith.select %lt3A_15, %slice3A_267, %broadcast_in_dim3A_269 : vector<416x256xi1>, vector<416x256xf32>
    %reduce_max3A_271 = arith.constant dense<0xFF800000> : vector<256xf32>
    %reduce_max3A_272 = vector.multi_reduction <maximumf>, %select_n3A_270, %reduce_max3A_271 [0] : vector<416x256xf32> to vector<256xf32>
    %swap3A_273 = arith.constant 0 : index
    %swap3A_274 = arith.constant 3 : index
    %swap3A_275 = arith.constant 0 : index
    %swap3A_276 = vector.load %arg8[%swap3A_273, %swap3A_274, %swap3A_275] : memref<1x16x256xf32, #tpu.memory_space<vmem>>, vector<1x1x256xf32>
    %swap3A_277 = vector.shape_cast %swap3A_276 : vector<1x1x256xf32> to vector<256xf32>
    %swap3A_278 = vector.shape_cast %reduce_max3A_272 : vector<256xf32> to vector<1x1x256xf32>
    tpu.vector_store %arg8[%swap3A_273, %swap3A_274, %swap3A_275], %swap3A_278 {strides = array<i32>} : memref<1x16x256xf32, #tpu.memory_space<vmem>>, vector<1x1x256xf32>,
    %slice3A_279 = vector.extract_strided_slice %add3A_235 {offsets = [1664, 0], sizes = [416, 256], strides = [1, 1]} : vector<6656x256xf32> to vector<416x256xf32>
    %jit3A_280 = arith.constant -1.000000e+30 : f32
    %broadcast_in_dim3A_281 = vector.broadcast %jit3A_280 : f32 to vector<416x256xf32>
    %select_n3A_282 = arith.select %lt3A_15, %slice3A_279, %broadcast_in_dim3A_281 : vector<416x256xi1>, vector<416x256xf32>
    %reduce_max3A_283 = arith.constant dense<0xFF800000> : vector<256xf32>
    %reduce_max3A_284 = vector.multi_reduction <maximumf>, %select_n3A_282, %reduce_max3A_283 [0] : vector<416x256xf32> to vector<256xf32>
    %swap3A_285 = arith.constant 0 : index
    %swap3A_286 = arith.constant 4 : index
    %swap3A_287 = arith.constant 0 : index
    %swap3A_288 = vector.load %arg8[%swap3A_285, %swap3A_286, %swap3A_287] : memref<1x16x256xf32, #tpu.memory_space<vmem>>, vector<1x1x256xf32>
    %swap3A_289 = vector.shape_cast %swap3A_288 : vector<1x1x256xf32> to vector<256xf32>
    %swap3A_290 = vector.shape_cast %reduce_max3A_284 : vector<256xf32> to vector<1x1x256xf32>
    tpu.vector_store %arg8[%swap3A_285, %swap3A_286, %swap3A_287], %swap3A_290 {strides = array<i32>} : memref<1x16x256xf32, #tpu.memory_space<vmem>>, vector<1x1x256xf32>,
    %slice3A_291 = vector.extract_strided_slice %add3A_235 {offsets = [2080, 0], sizes = [416, 256], strides = [1, 1]} : vector<6656x256xf32> to vector<416x256xf32>
    %jit3A_292 = arith.constant -1.000000e+30 : f32
    %broadcast_in_dim3A_293 = vector.broadcast %jit3A_292 : f32 to vector<416x256xf32>
    %select_n3A_294 = arith.select %lt3A_15, %slice3A_291, %broadcast_in_dim3A_293 : vector<416x256xi1>, vector<416x256xf32>
    %reduce_max3A_295 = arith.constant dense<0xFF800000> : vector<256xf32>
    %reduce_max3A_296 = vector.multi_reduction <maximumf>, %select_n3A_294, %reduce_max3A_295 [0] : vector<416x256xf32> to vector<256xf32>
    %swap3A_297 = arith.constant 0 : index
    %swap3A_298 = arith.constant 5 : index
    %swap3A_299 = arith.constant 0 : index
    %swap3A_300 = vector.load %arg8[%swap3A_297, %swap3A_298, %swap3A_299] : memref<1x16x256xf32, #tpu.memory_space<vmem>>, vector<1x1x256xf32>
    %swap3A_301 = vector.shape_cast %swap3A_300 : vector<1x1x256xf32> to vector<256xf32>
    %swap3A_302 = vector.shape_cast %reduce_max3A_296 : vector<256xf32> to vector<1x1x256xf32>
    tpu.vector_store %arg8[%swap3A_297, %swap3A_298, %swap3A_299], %swap3A_302 {strides = array<i32>} : memref<1x16x256xf32, #tpu.memory_space<vmem>>, vector<1x1x256xf32>,
    %slice3A_303 = vector.extract_strided_slice %add3A_235 {offsets = [2496, 0], sizes = [416, 256], strides = [1, 1]} : vector<6656x256xf32> to vector<416x256xf32>
    %jit3A_304 = arith.constant -1.000000e+30 : f32
    %broadcast_in_dim3A_305 = vector.broadcast %jit3A_304 : f32 to vector<416x256xf32>
    %select_n3A_306 = arith.select %lt3A_15, %slice3A_303, %broadcast_in_dim3A_305 : vector<416x256xi1>, vector<416x256xf32>
    %reduce_max3A_307 = arith.constant dense<0xFF800000> : vector<256xf32>
    %reduce_max3A_308 = vector.multi_reduction <maximumf>, %select_n3A_306, %reduce_max3A_307 [0] : vector<416x256xf32> to vector<256xf32>
    %swap3A_309 = arith.constant 0 : index
    %swap3A_310 = arith.constant 6 : index
    %swap3A_311 = arith.constant 0 : index
    %swap3A_312 = vector.load %arg8[%swap3A_309, %swap3A_310, %swap3A_311] : memref<1x16x256xf32, #tpu.memory_space<vmem>>, vector<1x1x256xf32>
    %swap3A_313 = vector.shape_cast %swap3A_312 : vector<1x1x256xf32> to vector<256xf32>
    %swap3A_314 = vector.shape_cast %reduce_max3A_308 : vector<256xf32> to vector<1x1x256xf32>
    tpu.vector_store %arg8[%swap3A_309, %swap3A_310, %swap3A_311], %swap3A_314 {strides = array<i32>} : memref<1x16x256xf32, #tpu.memory_space<vmem>>, vector<1x1x256xf32>,
    %slice3A_315 = vector.extract_strided_slice %add3A_235 {offsets = [2912, 0], sizes = [416, 256], strides = [1, 1]} : vector<6656x256xf32> to vector<416x256xf32>
    %jit3A_316 = arith.constant -1.000000e+30 : f32
    %broadcast_in_dim3A_317 = vector.broadcast %jit3A_316 : f32 to vector<416x256xf32>
    %select_n3A_318 = arith.select %lt3A_15, %slice3A_315, %broadcast_in_dim3A_317 : vector<416x256xi1>, vector<416x256xf32>
    %reduce_max3A_319 = arith.constant dense<0xFF800000> : vector<256xf32>
    %reduce_max3A_320 = vector.multi_reduction <maximumf>, %select_n3A_318, %reduce_max3A_319 [0] : vector<416x256xf32> to vector<256xf32>
    %swap3A_321 = arith.constant 0 : index
    %swap3A_322 = arith.constant 7 : index
    %swap3A_323 = arith.constant 0 : index
    %swap3A_324 = vector.load %arg8[%swap3A_321, %swap3A_322, %swap3A_323] : memref<1x16x256xf32, #tpu.memory_space<vmem>>, vector<1x1x256xf32>
    %swap3A_325 = vector.shape_cast %swap3A_324 : vector<1x1x256xf32> to vector<256xf32>
    %swap3A_326 = vector.shape_cast %reduce_max3A_320 : vector<256xf32> to vector<1x1x256xf32>
    tpu.vector_store %arg8[%swap3A_321, %swap3A_322, %swap3A_323], %swap3A_326 {strides = array<i32>} : memref<1x16x256xf32, #tpu.memory_space<vmem>>, vector<1x1x256xf32>,
    %slice3A_327 = vector.extract_strided_slice %add3A_235 {offsets = [3328, 0], sizes = [416, 256], strides = [1, 1]} : vector<6656x256xf32> to vector<416x256xf32>
    %jit3A_328 = arith.constant -1.000000e+30 : f32
    %broadcast_in_dim3A_329 = vector.broadcast %jit3A_328 : f32 to vector<416x256xf32>
    %select_n3A_330 = arith.select %lt3A_15, %slice3A_327, %broadcast_in_dim3A_329 : vector<416x256xi1>, vector<416x256xf32>
    %reduce_max3A_331 = arith.constant dense<0xFF800000> : vector<256xf32>
    %reduce_max3A_332 = vector.multi_reduction <maximumf>, %select_n3A_330, %reduce_max3A_331 [0] : vector<416x256xf32> to vector<256xf32>
    %swap3A_333 = arith.constant 0 : index
    %swap3A_334 = arith.constant 8 : index
    %swap3A_335 = arith.constant 0 : index
    %swap3A_336 = vector.load %arg8[%swap3A_333, %swap3A_334, %swap3A_335] : memref<1x16x256xf32, #tpu.memory_space<vmem>>, vector<1x1x256xf32>
    %swap3A_337 = vector.shape_cast %swap3A_336 : vector<1x1x256xf32> to vector<256xf32>
    %swap3A_338 = vector.shape_cast %reduce_max3A_332 : vector<256xf32> to vector<1x1x256xf32>
    tpu.vector_store %arg8[%swap3A_333, %swap3A_334, %swap3A_335], %swap3A_338 {strides = array<i32>} : memref<1x16x256xf32, #tpu.memory_space<vmem>>, vector<1x1x256xf32>,
    %slice3A_339 = vector.extract_strided_slice %add3A_235 {offsets = [3744, 0], sizes = [416, 256], strides = [1, 1]} : vector<6656x256xf32> to vector<416x256xf32>
    %jit3A_340 = arith.constant -1.000000e+30 : f32
    %broadcast_in_dim3A_341 = vector.broadcast %jit3A_340 : f32 to vector<416x256xf32>
    %select_n3A_342 = arith.select %lt3A_15, %slice3A_339, %broadcast_in_dim3A_341 : vector<416x256xi1>, vector<416x256xf32>
    %reduce_max3A_343 = arith.constant dense<0xFF800000> : vector<256xf32>
    %reduce_max3A_344 = vector.multi_reduction <maximumf>, %select_n3A_342, %reduce_max3A_343 [0] : vector<416x256xf32> to vector<256xf32>
    %swap3A_345 = arith.constant 0 : index
    %swap3A_346 = arith.constant 9 : index
    %swap3A_347 = arith.constant 0 : index
    %swap3A_348 = vector.load %arg8[%swap3A_345, %swap3A_346, %swap3A_347] : memref<1x16x256xf32, #tpu.memory_space<vmem>>, vector<1x1x256xf32>
    %swap3A_349 = vector.shape_cast %swap3A_348 : vector<1x1x256xf32> to vector<256xf32>
    %swap3A_350 = vector.shape_cast %reduce_max3A_344 : vector<256xf32> to vector<1x1x256xf32>
    tpu.vector_store %arg8[%swap3A_345, %swap3A_346, %swap3A_347], %swap3A_350 {strides = array<i32>} : memref<1x16x256xf32, #tpu.memory_space<vmem>>, vector<1x1x256xf32>,
    %slice3A_351 = vector.extract_strided_slice %add3A_235 {offsets = [4160, 0], sizes = [416, 256], strides = [1, 1]} : vector<6656x256xf32> to vector<416x256xf32>
    %jit3A_352 = arith.constant -1.000000e+30 : f32
    %broadcast_in_dim3A_353 = vector.broadcast %jit3A_352 : f32 to vector<416x256xf32>
    %select_n3A_354 = arith.select %lt3A_15, %slice3A_351, %broadcast_in_dim3A_353 : vector<416x256xi1>, vector<416x256xf32>
    %reduce_max3A_355 = arith.constant dense<0xFF800000> : vector<256xf32>
    %reduce_max3A_356 = vector.multi_reduction <maximumf>, %select_n3A_354, %reduce_max3A_355 [0] : vector<416x256xf32> to vector<256xf32>
    %swap3A_357 = arith.constant 0 : index
    %swap3A_358 = arith.constant 10 : index
    %swap3A_359 = arith.constant 0 : index
    %swap3A_360 = vector.load %arg8[%swap3A_357, %swap3A_358, %swap3A_359] : memref<1x16x256xf32, #tpu.memory_space<vmem>>, vector<1x1x256xf32>
    %swap3A_361 = vector.shape_cast %swap3A_360 : vector<1x1x256xf32> to vector<256xf32>
    %swap3A_362 = vector.shape_cast %reduce_max3A_356 : vector<256xf32> to vector<1x1x256xf32>
    tpu.vector_store %arg8[%swap3A_357, %swap3A_358, %swap3A_359], %swap3A_362 {strides = array<i32>} : memref<1x16x256xf32, #tpu.memory_space<vmem>>, vector<1x1x256xf32>,
    %slice3A_363 = vector.extract_strided_slice %add3A_235 {offsets = [4576, 0], sizes = [416, 256], strides = [1, 1]} : vector<6656x256xf32> to vector<416x256xf32>
    %jit3A_364 = arith.constant -1.000000e+30 : f32
    %broadcast_in_dim3A_365 = vector.broadcast %jit3A_364 : f32 to vector<416x256xf32>
    %select_n3A_366 = arith.select %lt3A_15, %slice3A_363, %broadcast_in_dim3A_365 : vector<416x256xi1>, vector<416x256xf32>
    %reduce_max3A_367 = arith.constant dense<0xFF800000> : vector<256xf32>
    %reduce_max3A_368 = vector.multi_reduction <maximumf>, %select_n3A_366, %reduce_max3A_367 [0] : vector<416x256xf32> to vector<256xf32>
    %swap3A_369 = arith.constant 0 : index
    %swap3A_370 = arith.constant 11 : index
    %swap3A_371 = arith.constant 0 : index
    %swap3A_372 = vector.load %arg8[%swap3A_369, %swap3A_370, %swap3A_371] : memref<1x16x256xf32, #tpu.memory_space<vmem>>, vector<1x1x256xf32>
    %swap3A_373 = vector.shape_cast %swap3A_372 : vector<1x1x256xf32> to vector<256xf32>
    %swap3A_374 = vector.shape_cast %reduce_max3A_368 : vector<256xf32> to vector<1x1x256xf32>
    tpu.vector_store %arg8[%swap3A_369, %swap3A_370, %swap3A_371], %swap3A_374 {strides = array<i32>} : memref<1x16x256xf32, #tpu.memory_space<vmem>>, vector<1x1x256xf32>,
    %slice3A_375 = vector.extract_strided_slice %add3A_235 {offsets = [4992, 0], sizes = [416, 256], strides = [1, 1]} : vector<6656x256xf32> to vector<416x256xf32>
    %jit3A_376 = arith.constant -1.000000e+30 : f32
    %broadcast_in_dim3A_377 = vector.broadcast %jit3A_376 : f32 to vector<416x256xf32>
    %select_n3A_378 = arith.select %lt3A_15, %slice3A_375, %broadcast_in_dim3A_377 : vector<416x256xi1>, vector<416x256xf32>
    %reduce_max3A_379 = arith.constant dense<0xFF800000> : vector<256xf32>
    %reduce_max3A_380 = vector.multi_reduction <maximumf>, %select_n3A_378, %reduce_max3A_379 [0] : vector<416x256xf32> to vector<256xf32>
    %swap3A_381 = arith.constant 0 : index
    %swap3A_382 = arith.constant 12 : index
    %swap3A_383 = arith.constant 0 : index
    %swap3A_384 = vector.load %arg8[%swap3A_381, %swap3A_382, %swap3A_383] : memref<1x16x256xf32, #tpu.memory_space<vmem>>, vector<1x1x256xf32>
    %swap3A_385 = vector.shape_cast %swap3A_384 : vector<1x1x256xf32> to vector<256xf32>
    %swap3A_386 = vector.shape_cast %reduce_max3A_380 : vector<256xf32> to vector<1x1x256xf32>
    tpu.vector_store %arg8[%swap3A_381, %swap3A_382, %swap3A_383], %swap3A_386 {strides = array<i32>} : memref<1x16x256xf32, #tpu.memory_space<vmem>>, vector<1x1x256xf32>,
    %slice3A_387 = vector.extract_strided_slice %add3A_235 {offsets = [5408, 0], sizes = [416, 256], strides = [1, 1]} : vector<6656x256xf32> to vector<416x256xf32>
    %jit3A_388 = arith.constant -1.000000e+30 : f32
    %broadcast_in_dim3A_389 = vector.broadcast %jit3A_388 : f32 to vector<416x256xf32>
    %select_n3A_390 = arith.select %lt3A_15, %slice3A_387, %broadcast_in_dim3A_389 : vector<416x256xi1>, vector<416x256xf32>
    %reduce_max3A_391 = arith.constant dense<0xFF800000> : vector<256xf32>
    %reduce_max3A_392 = vector.multi_reduction <maximumf>, %select_n3A_390, %reduce_max3A_391 [0] : vector<416x256xf32> to vector<256xf32>
    %swap3A_393 = arith.constant 0 : index
    %swap3A_394 = arith.constant 13 : index
    %swap3A_395 = arith.constant 0 : index
    %swap3A_396 = vector.load %arg8[%swap3A_393, %swap3A_394, %swap3A_395] : memref<1x16x256xf32, #tpu.memory_space<vmem>>, vector<1x1x256xf32>
    %swap3A_397 = vector.shape_cast %swap3A_396 : vector<1x1x256xf32> to vector<256xf32>
    %swap3A_398 = vector.shape_cast %reduce_max3A_392 : vector<256xf32> to vector<1x1x256xf32>
    tpu.vector_store %arg8[%swap3A_393, %swap3A_394, %swap3A_395], %swap3A_398 {strides = array<i32>} : memref<1x16x256xf32, #tpu.memory_space<vmem>>, vector<1x1x256xf32>,
    %slice3A_399 = vector.extract_strided_slice %add3A_235 {offsets = [5824, 0], sizes = [416, 256], strides = [1, 1]} : vector<6656x256xf32> to vector<416x256xf32>
    %jit3A_400 = arith.constant -1.000000e+30 : f32
    %broadcast_in_dim3A_401 = vector.broadcast %jit3A_400 : f32 to vector<416x256xf32>
    %select_n3A_402 = arith.select %lt3A_15, %slice3A_399, %broadcast_in_dim3A_401 : vector<416x256xi1>, vector<416x256xf32>
    %reduce_max3A_403 = arith.constant dense<0xFF800000> : vector<256xf32>
    %reduce_max3A_404 = vector.multi_reduction <maximumf>, %select_n3A_402, %reduce_max3A_403 [0] : vector<416x256xf32> to vector<256xf32>
    %swap3A_405 = arith.constant 0 : index
    %swap3A_406 = arith.constant 14 : index
    %swap3A_407 = arith.constant 0 : index
    %swap3A_408 = vector.load %arg8[%swap3A_405, %swap3A_406, %swap3A_407] : memref<1x16x256xf32, #tpu.memory_space<vmem>>, vector<1x1x256xf32>
    %swap3A_409 = vector.shape_cast %swap3A_408 : vector<1x1x256xf32> to vector<256xf32>
    %swap3A_410 = vector.shape_cast %reduce_max3A_404 : vector<256xf32> to vector<1x1x256xf32>
    tpu.vector_store %arg8[%swap3A_405, %swap3A_406, %swap3A_407], %swap3A_410 {strides = array<i32>} : memref<1x16x256xf32, #tpu.memory_space<vmem>>, vector<1x1x256xf32>,
    %slice3A_411 = vector.extract_strided_slice %add3A_235 {offsets = [6240, 0], sizes = [416, 256], strides = [1, 1]} : vector<6656x256xf32> to vector<416x256xf32>
    %jit3A_412 = arith.constant -1.000000e+30 : f32
    %broadcast_in_dim3A_413 = vector.broadcast %jit3A_412 : f32 to vector<416x256xf32>
    %select_n3A_414 = arith.select %lt3A_15, %slice3A_411, %broadcast_in_dim3A_413 : vector<416x256xi1>, vector<416x256xf32>
    %reduce_max3A_415 = arith.constant dense<0xFF800000> : vector<256xf32>
    %reduce_max3A_416 = vector.multi_reduction <maximumf>, %select_n3A_414, %reduce_max3A_415 [0] : vector<416x256xf32> to vector<256xf32>
    %swap3A_417 = arith.constant 0 : index
    %swap3A_418 = arith.constant 15 : index
    %swap3A_419 = arith.constant 0 : index
    %swap3A_420 = vector.load %arg8[%swap3A_417, %swap3A_418, %swap3A_419] : memref<1x16x256xf32, #tpu.memory_space<vmem>>, vector<1x1x256xf32>
    %swap3A_421 = vector.shape_cast %swap3A_420 : vector<1x1x256xf32> to vector<256xf32>
    %swap3A_422 = vector.shape_cast %reduce_max3A_416 : vector<256xf32> to vector<1x1x256xf32>
    tpu.vector_store %arg8[%swap3A_417, %swap3A_418, %swap3A_419], %swap3A_422 {strides = array<i32>} : memref<1x16x256xf32, #tpu.memory_space<vmem>>, vector<1x1x256xf32>,
    return
  }
  func.func @transform_0(%arg0: i32) -> (i32, i32, i32) {
    %c0_i32 = arith.constant 0 : i32
    %c0_i32_0 = arith.constant 0 : i32
    %c0_i32_1 = arith.constant 0 : i32
    return %arg0, %c0_i32, %c0_i32_0 : i32, i32, i32
  }
  func.func @transform_1(%arg0: i32) -> (i32, i32, i32) {
    %c0_i32 = arith.constant 0 : i32
    %c0_i32_0 = arith.constant 0 : i32
    %c0_i32_1 = arith.constant 0 : i32
    return %arg0, %c0_i32, %c0_i32_0 : i32, i32, i32
  }
  func.func @transform_2(%arg0: i32) -> (i32, i32) {
    %c0_i32 = arith.constant 0 : i32
    %c0_i32_0 = arith.constant 0 : i32
    %c0_i32_1 = arith.constant 0 : i32
    return %c0_i32, %c0_i32_0 : i32, i32
  }
  func.func @transform_3(%arg0: i32) -> (i32, i32) {
    %c0_i32 = arith.constant 0 : i32
    %c0_i32_0 = arith.constant 0 : i32
    %c0_i32_1 = arith.constant 0 : i32
    return %c0_i32, %c0_i32_0 : i32, i32
  }
  func.func @transform_4(%arg0: i32) -> (i32, i32) {
    %c0_i32 = arith.constant 0 : i32
    %c0_i32_0 = arith.constant 0 : i32
    %c0_i32_1 = arith.constant 0 : i32
    return %c0_i32, %c0_i32_0 : i32, i32
  }
  func.func @transform_5(%arg0: i32) -> (i32, i32) {
    %c0_i32 = arith.constant 0 : i32
    %c0_i32_0 = arith.constant 0 : i32
    %c0_i32_1 = arith.constant 0 : i32
    return %c0_i32, %c0_i32_0 : i32, i32
  }
  func.func @transform_6(%arg0: i32) -> (i32, i32) {
    %c0_i32 = arith.constant 0 : i32
    %c0_i32_0 = arith.constant 0 : i32
    %c0_i32_1 = arith.constant 0 : i32
    return %c0_i32, %c0_i32_0 : i32, i32
  }
  func.func @transform_7(%arg0: i32) -> (i32, i32, i32) {
    %c0_i32 = arith.constant 0 : i32
    %c0_i32_0 = arith.constant 0 : i32
    %c0_i32_1 = arith.constant 0 : i32
    return %arg0, %c0_i32, %c0_i32_0 : i32, i32, i32
  }
}

module attributes {stable_mosaic.version = 14 : i64} {
  func.func @_glob_kernel(%arg0: memref<320x256xf32, #tpu.memory_space<vmem>>, %arg1: memref<256x256xf32, #tpu.memory_space<vmem>>, %arg2: memref<1x256xf32, #tpu.memory_space<vmem>>, %arg3: memref<256x192xf32, #tpu.memory_space<vmem>>, %arg4: memref<1x192xf32, #tpu.memory_space<vmem>>, %arg5: memref<320x192xf32, #tpu.memory_space<vmem>>) attributes {dimension_semantics = [], scalar_prefetch = 0 : i64, scratch_operands = 0 : i64, tpu.core_type = #tpu.core_type<tc>} {
    %get3A = arith.constant 0 : index
    %get3A_0 = arith.constant 0 : index
    %get3A_1 = vector.load %arg0[%get3A, %get3A_0] : memref<320x256xf32, #tpu.memory_space<vmem>>, vector<320x256xf32>
    %get3A_2 = arith.constant 0 : index
    %get3A_3 = arith.constant 0 : index
    %get3A_4 = vector.load %arg1[%get3A_2, %get3A_3] : memref<256x256xf32, #tpu.memory_space<vmem>>, vector<256x256xf32>
    %dot_general3A = arith.constant dense<0.000000e+00> : vector<320x256xf32>
    %dot_general3A_5 = tpu.matmul %get3A_1, %get3A_4, %dot_general3A {dimension_numbers = #tpu.dot_dimension_numbers<[1], [0], [0], [1], [0, 0, 1, 1], [], []>, transpose_lhs_hint = false} : vector<320x256xf32>, vector<256x256xf32>, vector<320x256xf32> -> vector<320x256xf32>
    %get3A_6 = arith.constant 0 : index
    %get3A_7 = arith.constant 0 : index
    %get3A_8 = vector.load %arg2[%get3A_6, %get3A_7] : memref<1x256xf32, #tpu.memory_space<vmem>>, vector<1x256xf32>
    %add3A = vector.broadcast %get3A_8 : vector<1x256xf32> to vector<320x256xf32>
    %add3A_9 = arith.addf %dot_general3A_5, %add3A : vector<320x256xf32>
    %max3A = arith.constant 0.000000e+00 : f32
    %max3A_10 = vector.broadcast %max3A : f32 to vector<320x256xf32>
    %max3A_11 = arith.maximumf %add3A_9, %max3A_10 : vector<320x256xf32>
    %get3A_12 = arith.constant 0 : index
    %get3A_13 = arith.constant 0 : index
    %get3A_14 = vector.load %arg3[%get3A_12, %get3A_13] : memref<256x192xf32, #tpu.memory_space<vmem>>, vector<256x192xf32>
    %dot_general3A_15 = arith.constant dense<0.000000e+00> : vector<320x192xf32>
    %dot_general3A_16 = tpu.matmul %max3A_11, %get3A_14, %dot_general3A_15 {dimension_numbers = #tpu.dot_dimension_numbers<[1], [0], [0], [1], [0, 0, 1, 1], [], []>, transpose_lhs_hint = false} : vector<320x256xf32>, vector<256x192xf32>, vector<320x192xf32> -> vector<320x192xf32>
    %get3A_17 = arith.constant 0 : index
    %get3A_18 = arith.constant 0 : index
    %get3A_19 = vector.load %arg4[%get3A_17, %get3A_18] : memref<1x192xf32, #tpu.memory_space<vmem>>, vector<1x192xf32>
    %add3A_20 = vector.broadcast %get3A_19 : vector<1x192xf32> to vector<320x192xf32>
    %add3A_21 = arith.addf %dot_general3A_16, %add3A_20 : vector<320x192xf32>
    %swap3A = arith.constant 0 : index
    %swap3A_22 = arith.constant 0 : index
    %swap3A_23 = vector.load %arg5[%swap3A, %swap3A_22] : memref<320x192xf32, #tpu.memory_space<vmem>>, vector<320x192xf32>
    tpu.vector_store %arg5[%swap3A, %swap3A_22], %add3A_21 {strides = array<i32>} : memref<320x192xf32, #tpu.memory_space<vmem>>, vector<320x192xf32>,
    return
  }
}

</mosaic_0001>

<sc_bundles>
// kernel: gather_offload_async_start
scs
__scs_entry_jumppad:
0x0: {  	(pc) =	sbr.rel $0x88, $3  }
0x1: {  	(tag) =	ssettag $0x0;
	lr =	simm.s32 $0x1  }
0x2: {  	[smem:$0x3F30] =	sst lr;
	_ =	strace $0xD0000000  }
0x3: {  	_ = 	snop  }
0x4: {  	_ = 	snop  }
0x5: {  	_ = 	snop  }
0x6: {  	_ = 	snop  }
0x7: {  	_ = 	snop  }
__scs_overlays_trampoline_lowered:
0x8: {  	[smem:$0x3F3F] =	sst s0  }
0x9: {  	[smem:$0x3F40] =	sst s1  }
0xa: {  	[smem:$0x3F41] =	sst s2  }
0xb: {  	[smem:$0x3F42] =	sst s3  }
0xc: {  	[smem:$0x3F43] =	sst s4  }
0xd: {  	[smem:$0x3F44] =	sst s5  }
0xe: {  	[smem:$0x3F45] =	sst s6  }
0xf: {  	[smem:$0x3F46] =	sst s7  }
0x10: {  	[smem:$0x3F47] =	sst s8  }
0x11: {  	[smem:$0x3F48] =	sst s9;
	s0 =	simm.s32 @!p0 $0x0  }
0x12: {  	s1 =	sld [smem:$0x3F2E];
	s0 =	simm.s32 @p0 $0x1  }
0x13: {  	[smem:$0x3F49] =	sst s0;
	s0 =	simm.s32 @!p1 $0x0  }
0x14: {  	s2 =	sld [smem:$0x3F2D];
	s0 =	simm.s32 @p1 $0x1  }
0x15: {  	[smem:$0x3F4A] =	sst s0;
	s0 =	simm.s32 @!p2 $0x0  }
0x16: {  	s3 =	sld [smem:$0x3FDB];
	s0 =	simm.s32 @p2 $0x1  }
0x17: {  	s4 =	simm.s32 $0x1BF5;
	[smem:$0x3F4C] =	sst s0  }
0x18: {  	s0 =	sld [smem:$0x3F2F];
	_ =	swait.ge [sflag:s4], $0x0  }
0x19: {  	s7 =	sld [smem:$0x3F30]  }
0x1a: {  	s8 =	sadd.s32 $0xFFFFE003, lr  }
0x1b: {  	s9 =	sadd.s32 $0xFFFFFEF7, lr;
	s5 =	simm.s32 $0xFFFFFFFF;
	p2 =	slt.u32 s8, $0xFFFFF086  }
0x1c: {  	p1 =	slt.u32 s9, $0xF7A;
	s5 =	simm.s32 @!p2 $0x0  }
0x1d: {  	s5 =	simm.s32 @p1 $0x1;
	p0 =	seq.s32 s7, s2  }
0x1e: {  	s7 =	smul.u32 @!p0 $0xF7A, s2;
	p2 =	seq.s32 @!p0 s5, $0x0  }
0x1f: {  	s9 =	smul.u32 $0xF7A, s1;
	s8 =	simm.s32 @!p0 $0x1BF5;
	p2 =	por !p2, p0  }
0x20: {  	[sflag:s8] =	ssyncset.s32 @!p0 $0xFFFFF086;
	s6 =	sadd.s32 @!p0 s3, s7;
	s7 =	simm.s32 @!p0 $0x108  }
0x21: {  	s3 =	sadd.s32 s3, s9;
	s6 =	sadd.s32 @!p0 $0x88, s6;
	s7 =	simm.s32 @p2 $0x1082  }
0x22: {  	[simem:s7], [sflag:s8] =	dma.local @!p0 [hbm:s6], $0xF7A  }
0x23: {  	s9 =	sor.u32 $0xD0000000, s2;
	s6 =	simm.s32 $0x108;
	_ =	swait.ge @!p0 [sflag:s8], $0x0  }
0x24: {  	s3 =	sadd.s32 $0x88, s3;
	s6 =	simm.s32 @!p1 $0x1082;
	[sflag:s4] =	ssyncset.s32 $0xFFFFF086  }
0x25: {  	[simem:s6], [sflag:s4] =	dma.local [hbm:s3], $0xF7A  }
0x26: {  	[smem:$0x3F30] =	sst s1;
	(tag) =	ssettag s2;
	_ =	strace s9  }
0x27: {  	s1 =	sld [smem:$0x3F40]  }
0x28: {  	s2 =	sld [smem:$0x3F41]  }
0x29: {  	s4 =	sld [smem:$0x3F43]  }
0x2a: {  	p0 =	seq.s32 s5, $0x0;
	s5 =	sld [smem:$0x3F44]  }
0x2b: {  	s6 =	sld [smem:$0x3F45]  }
0x2c: {  	s7 =	sld [smem:$0x3F46]  }
0x2d: {  	s3 =	simm.s32 $0x108;
	s8 =	sld [smem:$0x3F47]  }
0x2e: {  	s3 =	simm.s32 @!p0 $0x1082;
	s9 =	sld [smem:$0x3F48]  }
0x2f: {  	lr =	sadd.s32 s0, s3;
	s0 =	sld [smem:$0x3F3F]  }
0x30: {  	s3 =	sld [smem:$0x3F42]  }
0x31: {  	[smem:$0x3F4B] =	sst s10  }
0x32: {  	s10 =	sld [smem:$0x3F49];
	_ =	sdelay $0x3  }
0x33: {  	p0 =	seq.s32 s10, $0x1;
	s10 =	sld [smem:$0x3F4B];
	_ =	sdelay $0x3  }
0x34: {  	[smem:$0x3F4B] =	sst s10  }
0x35: {  	s10 =	sld [smem:$0x3F4A];
	_ =	sdelay $0x3  }
0x36: {  	p1 =	seq.s32 s10, $0x1;
	s10 =	sld [smem:$0x3F4B];
	_ =	sdelay $0x3  }
0x37: {  	[smem:$0x3F4B] =	sst s10  }
0x38: {  	s10 =	sld [smem:$0x3F4C]  }
0x39: {  	_ = 	snop;
	(pc) =	sbr.ind lr, $3  }
0x3a: {  	_ = 	snop  }
0x3b: {  	_ = 	snop  }
0x3c: {  	p2 =	seq.s32 s10, $0x1;
	s10 =	sld [smem:$0x3F4B]  }
0x3d: {  	_ =	shalt  }
0x3e: {  	_ =	shalt  }
0x3f: {  	_ =	shalt  }
0x40: {  	_ =	shalt  }
0x41: {  	_ =	shalt  }
0x42: {  	_ =	shalt  }
0x43: {  	_ =	shalt  }
0x44: {  	_ =	shalt  }
0x45: {  	_ =	shalt  }
0x46: {  	_ =	shalt  }
0x47: {  	_ =	shalt  }
0x48: {  	_ =	shalt  }
0x49: {  	_ =	shalt  }
0x4a: {  	_ =	shalt  }
0x4b: {  	_ =	shalt  }
0x4c: {  	_ =	shalt  }
0x4d: {  	_ =	shalt  }
0x4e: {  	_ =	shalt  }
0x4f: {  	_ =	shalt  }
0x50: {  	_ =	shalt  }
0x51: {  	_ =	shalt  }
0x52: {  	_ =	shalt  }
0x53: {  	_ =	shalt  }
0x54: {  	_ =	shalt  }
0x55: {  	_ =	shalt  }
0x56: {  	_ =	shalt  }
0x57: {  	_ =	shalt  }
0x58: {  	_ =	shalt  }
0x59: {  	_ =	shalt  }
0x5a: {  	_ =	shalt  }
0x5b: {  	_ =	shalt  }
0x5c: {  	_ =	shalt  }
0x5d: {  	_ =	shalt  }
0x5e: {  	_ =	shalt  }
0x5f: {  	_ =	shalt  }
0x60: {  	_ =	shalt  }
0x61: {  	_ =	shalt  }
0x62: {  	_ =	shalt  }
0x63: {  	_ =	shalt  }
0x64: {  	_ =	shalt  }
0x65: {  	_ =	shalt  }
0x66: {  	_ =	shalt  }
0x67: {  	_ =	shalt  }
0x68: {  	_ =	shalt  }
0x69: {  	_ =	shalt  }
0x6a: {  	_ =	shalt  }
0x6b: {  	_ =	shalt  }
0x6c: {  	_ =	shalt  }
0x6d: {  	_ =	shalt  }
0x6e: {  	_ =	shalt  }
0x6f: {  	_ =	shalt  }
0x70: {  	_ =	shalt  }
0x71: {  	_ =	shalt  }
0x72: {  	_ =	shalt  }
0x73: {  	_ =	shalt  }
0x74: {  	_ =	shalt  }
0x75: {  	_ =	shalt  }
0x76: {  	_ =	shalt  }
0x77: {  	_ =	shalt  }
0x78: {  	_ =	shalt  }
0x79: {  	_ =	shalt  }
0x7a: {  	_ =	shalt  }
0x7b: {  	_ =	shalt  }
0x7c: {  	_ =	shalt  }
0x7d: {  	_ =	shalt  }
0x7e: {  	_ =	shalt  }
0x7f: {  	_ =	shalt  }
0x80: {  	_ =	shalt  }
0x81: {  	_ =	shalt  }
0x82: {  	_ =	shalt  }
0x83: {  	_ =	shalt  }
0x84: {  	_ =	shalt  }
0x85: {  	_ =	shalt  }
0x86: {  	_ =	shalt  }
0x87: {  	_ =	shalt  }
.Lfunc_end0:
.L_simem_size_0:
called_computation_lowered:
.L_overlay_start_0:
0x88: {  	s2 =	sld [smem:$0x3FD9]  }
0x89: {  	s3 =	sld [smem:$0x3FFE];
	_ =	sdelay $0x1  }
0x8a: {  	s1 =	srdreg.scid  }
0x8b: {  	s0 =	sand.u32 $0x1, s1  }
0x8c: {  	s16 =	sshll.u32 s0, $0xA;
	s2 =	sadd.s32 s3, s2  }
0x8d: {  	s2 =	sadd.s32 s2, s16  }
0x8e: {  	[smem:$0x3F57] =	sst s2  }
0x8f: {  	_ = 	snop  }
0x90: {  	(tm) =	ssettm $0x1  }
0x91: {  	s17 =	sld [smem:$0x3FFB];
	_ =	sdelay $0x3  }
0x92: {  	_ =	strace s17  }
0x93: {  	s2 =	sld [smem:$0x3FFC];
	_ =	sdelay $0x3  }
0x94: {  	_ =	strace s2  }
0x95: {  	s2 =	sld [smem:$0x3FFD];
	_ =	sdelay $0x3  }
0x96: {  	_ =	strace s2  }
0x97: {  	_ =	strace $0x8FFFFFFF  }
0x98: {  	s18 =	sld [smem:$0x3FDB];
	_ =	sdelay $0x1  }
0x99: {  	s19 =	simm.s32 $_scs_section_size  }
0x9a: {  	s4 =	simm.s32 $_size__tile_overlayer_lowered;
	s5 =	simm.s32 $_tile_overlayer_lowered  }
0x9b: {  	s22 =	simm.s32 $0x1BFF;
	s21 =	sshll.u32 s5, $0x1;
	s2 =	sadd.s32 s19, s18  }
0x9c: {  	s6 =	simm.s32 $0x0;
	s20 =	sshll.u32 s4, $0x1;
	s4 =	sadd.s32 s21, s2  }
0x9d: {  	[timem:s6], [sflag:s22] =	dma.local [hbm:s4], s20  }
0x9e: {  	_ =	swait.ge [sflag:s22], s20  }
0x9f: {  	s3 =	ssub.s32 $0x0, s20;
	[sflag:s22] =	ssyncset.done $0x0  }
0xa0: {  	[sflag:s22] =	ssyncadd.s32 s3;
	_ =	sdelay $0x1  }
0xa1: {  	s23 =	simm.s32 $0x1B8B  }
0xa2: {  	_ =	swait.ge [sflag:s23], $0x1  }
0xa3: {  	[sflag:s23] =	ssyncset.done $0x0  }
0xa4: {  	s25 =	simm.s32 $0x1B8E;
	s24 =	sld [smem:$0x3FFE];
	[sflag:s23] =	ssyncadd.s32 $0xFFFFFFFF  }
0xa5: {  	s26 =	simm.s32 $execute0_lowered;
	[smem:$0x3FD2] =	sst s25  }
0xa6: {  	s4 =	sshll.u32 s26, $0x1;
	_ =	strace $0x80000046;
	[dreg:$0x1] =	wrdreg $0xFFFFFFFF  }
0xa7: {  	s28 =	simm.s32 $_size_execute0_lowered;
	s2 =	sadd.s32 s2, s4;
	[dreg:$0x0] =	wrdreg $0x0  }
0xa8: {  	s4 =	sshll.u32 s28, $0x1;
	[dreg:$0x2] =	wrdreg s2  }
0xa9: {  	[dreg:$0x3] =	wrdreg s4  }
0xaa: {  	[dreg:$0x4] =	wrdreg $0xC0  }
0xab: {  	_ =	task [dreg:s6], $0x5FFFF  }
0xac: {  	[dreg:$0x1] =	wrdreg $0xFFFFFFFF  }
0xad: {  	[dreg:$0x0] =	wrdreg $0x60  }
0xae: {  	[dreg:$0x2] =	wrdreg s24  }
0xaf: {  	[dreg:$0x3] =	wrdreg $0x9  }
0xb0: {  	_ =	task.clear_ibuf [dreg:s6], $0x4FFFF;
	_ =	strace $0x90000046  }
0xb1: {  	s29 =	simm.s32 $0x9;
	_ =	strace $0x80000048  }
0xb2: {  	_ =	swait.ge [sflag:s29], $0x1  }
0xb3: {  	[sflag:s29] =	ssyncadd.s32 $0xFFFFFFFF  }
0xb4: {  	_ =	strace $0x90000048  }
0xb5: {  	_ =	sfence  }
0xb6: {  	s30 =	sld [smem:$0x0];
	_ =	sdelay $0x2  }
0xb7: {  	s31 =	sshll.u32 s1, $0xD;
	s1 =	sshrl.u32 s1, $0x2  }
0xb8: {  	s3 =	sand.u32 $0x4000, s31;
	s1 =	sadd.s32 s1, s30  }
0xb9: {  	s0 =	sor.u32 s3, s0;
	s1 =	sshll.u32 s1, $0x11  }
0xba: {  	s0 =	sor.u32 s1, s0  }
0xbb: {  	s0 =	sadd.s32 $0x8F2B, s0  }
0xbc: {  	[sflag:s0] =	ssyncadd.remote.s32 $0x1  }
0xbd: {  	_ =	sfence.sel $0xFFFF  }
0xbe: {  	[dreg:$0x0] =	wrdreg $0xFFFFFFFF;
	(pc) =	sbr.abs _section_cstart, $3  }
0xbf: {  	[dreg:$0x1] =	wrdreg $0xFFFFFFFF  }
0xc0: {  	_ =	task.clear_ibuf [dreg:s6], $0x2FFFF;
	_ =	strace $0x9FFFFFFF  }
0xc1: {  	(tm) =	ssettm $0x7FFFFFFF  }
tec
execute0_lowered:
.L_overlay_start_1:
0x0: {  	(tag) =	ssettag $0x1  }
0x1: {  	s0 =	srdreg.scid  }
0x2: {  	s1 =	sshll.u32 s0, $0x4  }
0x3: {  	s0 =	stileid.u32;
	s1 =	sand.u32 $0x10, s1  }
0x4: {  	s1 =	sor.u32 s0, s1  }
0x5: {  	s2 =	smul.u32 $0xC, s1  }
0x6: {  	s3 =	smin.u32 s1, $0x1A  }
0x7: {  	s2 =	sadd.s32 s3, s2  }
0x8: {  	p0 =	slt.u32 s1, $0x1A;
	s1 =	simm.s32 $0x1040;
	s2 =	smul.u32 $0x140, s2  }
0x9: {  	s1 =	simm.s32 @!p0 $0xF00  }
0xa: {  	s1 =	sadd.s32 s1, s2  }
0xb: {  	s3 =	smin.u32 s1, $0x20080  }
0xc: {  	s7 =	ssub.s32 s3, s2  }
0xd: {  	p0 =	sgt.s32 s7, $0x0  }
0xe: {  	s7 =	simm.s32 @!p0 $0x0  }
0xf: {  	s31 =	smulhi.u32 $0x66666667, s7  }
0x10: {  	s4 =	rddreg [dreg:$0x0];
	s6 =	simm.s32 $0x1  }
0x11: {  	s10 =	simm.s32 $0x3;
	s13 =	simm.s32 $0x0;
	s8 =	sshrl.u32 s31, $0x7  }
0x12: {  	s12 =	simm.s32 $0x0;
	s5 =	sadd.s32 $0x200000, s4;
	s9 =	smul.u32 $0x140, s8  }
.Ltmp0:
0x13: {  	s11 =	smov.u32 s2;
	s1 =	rddreg [dreg:$0x1];
	(pc) =	sbr.rel .LBB2_1-.Ltmp0, $4  }
0x14: {  	_ =	strace $0x80000047;
	p0 =	sne.s32 s7, s9;
	s9 =	simm.s32 $0x1  }
0x15: {  	[sflag:s6] =	ssyncpa.u1 $0x0;
	s7 =	simm.s32 $0x2;
	s9 =	simm.s32 @!p0 $0x0  }
0x16: {  	[sflag:s7] =	ssyncpa.u1 $0x0;
	p0 =	por $0x0, $0x0;
	s8 =	sadd.s32 s9, s8  }
0x17: {  	vm0 =	vmmov $0xff;
	vm1 =	vcmask $0x3F20;
	s9 =	sadd.s32 $0x204200, s4;
	[sflag:s10] =	ssyncpa.u1 $0x0;
	s10 =	sadd.s32 $0x1, s8  }
.LBB2_6:
0x18: {  	[hbm:s17] =	stream.linear.scatter [tilespmem:s14], [sflag:$0x3], $0x400, $0x38;
	[tilespmem:$0x14280] =	vst v63  }
.LBB2_7:
0x19: {  	s13 =	sadd.s32 $0x140, s11  }
0x1a: {  	s15 =	smov.u32 s2;
	p2 =	slt.s32 s13, s3  }
0x1b: {  	s15 =	smov.u32 @p2 s13;
	p2 =	sne.s32 s12, s10  }
.Ltmp1:
0x1c: {  	p1 =	slt.u32 s12, $0x2;
	(pc) =	sbr.rel @!p2 .LBB2_8-.Ltmp1, $4  }
0x1d: {  	s14 =	simm.s32 @!p1 $0x3  }
0x1e: {  	s16 =	sadd.s32 $0x1, s12;
	_ =	swait.ge @!p1 [sflag:s14], $0xA000  }
0x1f: {  	p0 =	por !p0, !p0;
	s13 =	smov.u32 s11;
	[sflag:s14] =	ssyncset.done @!p1 $0x0  }
0x20: {  	s12 =	smov.u32 s16;
	s11 =	smov.u32 s15;
	[sflag:s14] =	ssyncadd.s32 @!p1 $0xFFFF6000  }
.LBB2_1:
0x21: {  	p1 =	sge.u32 s12, s8  }
0x22: {  	s14 =	sxor.u32 @!p1 $0xFFFFFFFF, s12  }
0x23: {  	s14 =	sand.u32 @!p1 $0x1, s14  }
0x24: {  	s14 =	smul.u32 @!p1 $0x500, s14  }
0x25: {  	s31 =	sadd.s32 $0xFFFFFFFF, s12;
	s15 =	sshrl.u32 @!p1 s11, $0x3  }
0x26: {  	s16 =	sand.u32 @!p1 $0x7, s11;
	s15 =	sadd.s32 @!p1 s5, s15;
	s14 =	sshrl.u32 @!p1 s14, $0x2  }
0x27: {  	[tilespmem:s14], [sflag:$0x2] =	stream.linear.gather @!p1 [hbm4b:s15+s16], $0x140, $0x38;
	[tilespmem:$0x14280] =	vst v63  }
0x28: {  	p1 =	sge.u32 s31, s8  }
.Ltmp2:
0x29: {  	_ = 	snop;
	(pc) =	sbr.rel @p1 .LBB2_7-.Ltmp2, $1  }
0x2a: {  	_ =	sdelay $0x3  }
0x2b: {  	s14 =	simm.s32 $0x1  }
0x2c: {  	s14 =	simm.s32 @!p0 $0x0  }
0x2d: {  	s15 =	smul.u32 $0x500, s14  }
0x2e: {  	_ =	swait.ge [sflag:s7], $0x140  }
0x2f: {  	[sflag:s7] =	ssyncset.done $0x0;
	s16 =	sshrl.u32 s15, $0x2  }
0x30: {  	[sflag:s7] =	ssyncadd.s32 $0xFFFFFEC0;
	s15 =	sadd.s32 $0x0, s16  }
0x31: {  	v0 =	vld.msk [tilespmem:s15+$0x0 ss:$0x1], $0xffff;
	_ =	sdelay $0x4  }
0x32: {  	vm2 =	vgt.s32 v0, $0x0  }
0x33: {  	v0 =	vnsel vm2, $0x0, v0  }
0x34: {  	v0 =	vmin.u32 v0, $0x1FFFF  }
0x35: {  	v0 =	vshll.u32 v0, $0x4  }
0x36: {  	s14 =	smul.u32 $0x28000, s14;
	_ =	sdelay $0x1  }
0x37: {  	s14 =	sshrl.u32 s14, $0x2  }
0x38: {  	s14 =	sor.u32 $0x280, s14  }
0x39: {  	[tilespmem:s14], [sflag:$0x1] =	stream.indirect_vreg.gather [hbm:s4], $0x80, v0, vm0, $0x38;
	[tilespmem:$0x14280] =	vst v63  }
0x3a: {  	s17 =	sadd.s32 $0x10, s16;
	s15 =	sadd.s32 $0x400, s14  }
0x3b: {  	[tilespmem:s15], [sflag:$0x1] =	stream.indirect_vreg.gather [hbm:s4], $0x80, v0, vm1, $0x38;
	[tilespmem:$0x14280] =	vst v63  }
0x3c: {  	s18 =	simm.s32 $0x80;
	v0 =	vld.msk [tilespmem:s17+$0x0 ss:$0x1], $0xffff;
	s17 =	smov.u32 s14  }
.LBB2_3:
0x3d: {  	p1 =	sne.s32 s18, $0x4C0;
	_ =	sdelay $0x4  }
0x3e: {  	vm2 =	vgt.s32 v0, $0x0  }
0x3f: {  	v0 =	vnsel vm2, $0x0, v0  }
0x40: {  	v0 =	vmin.u32 v0, $0x1FFFF  }
0x41: {  	v0 =	vshll.u32 v0, $0x4;
	_ =	sdelay $0x3  }
.Ltmp3:
0x42: {  	s19 =	sshra.s32 s18, $0x2;
	s17 =	sadd.s32 $0x800, s17;
	(pc) =	sbr.rel @p1 .LBB2_3-.Ltmp3, $4  }
0x43: {  	[tilespmem:s17], [sflag:$0x1] =	stream.indirect_vreg.gather [hbm:s4], $0x80, v0, vm0, $0x38;
	[tilespmem:$0x14280] =	vst v63  }
0x44: {  	s19 =	sadd.s32 s19, s16;
	s20 =	sadd.s32 $0x400, s17  }
0x45: {  	[tilespmem:s20], [sflag:$0x1] =	stream.indirect_vreg.gather [hbm:s4], $0x80, v0, vm1, $0x38;
	[tilespmem:$0x14280] =	vst v63  }
0x46: {  	s18 =	sadd.s32 $0x40, s18;
	v0 =	vld.msk [tilespmem:s19+$0x0 ss:$0x1], $0xffff  }
0x47: {  	_ =	sdelay $0x3  }
0x48: {  	vm2 =	vgt.s32 v0, $0x0  }
0x49: {  	v0 =	vnsel vm2, $0x0, v0  }
0x4a: {  	v0 =	vmin.u32 v0, $0x1FFFF  }
0x4b: {  	v0 =	vshll.u32 v0, $0x4;
	_ =	sdelay $0x3  }
0x4c: {  	s16 =	sadd.s32 $0x800, s17  }
0x4d: {  	[tilespmem:s16], [sflag:$0x1] =	stream.indirect_vreg.gather [hbm:s4], $0x80, v0, vm0, $0x38;
	[tilespmem:$0x14280] =	vst v63  }
0x4e: {  	s16 =	sadd.s32 $0x400, s16  }
0x4f: {  	[tilespmem:s16], [sflag:$0x1] =	stream.indirect_vreg.gather [hbm:s4], $0x80, v0, vm1, $0x38;
	[tilespmem:$0x14280] =	vst v63  }
0x50: {  	s13 =	sshll.u32 s13, $0x4;
	_ =	swait.ge [sflag:s6], $0xA000  }
0x51: {  	s13 =	sadd.s32 s13, s9;
	[sflag:s6] =	ssyncset.done $0x0  }
0x52: {  	s17 =	sadd.s32 $0x0, s13;
	s16 =	simm.s32 $0x80;
	[sflag:s6] =	ssyncadd.s32 $0xFFFF6000  }
.LBB2_5:
0x53: {  	[hbm:s17] =	stream.linear.scatter [tilespmem:s14], [sflag:$0x3], $0x400, $0x38;
	[tilespmem:$0x14280] =	vst v63  }
0x54: {  	s17 =	smov.u32 s16;
	s14 =	smov.u32 s15;
	p1 =	sne.s32 s16, $0x1380  }
.Ltmp4:
0x55: {  	s16 =	sadd.s32 $0x80, s16;
	(pc) =	sbr.rel @p1 .LBB2_5-.Ltmp4, $2  }
0x56: {  	_ =	sdelay $0x2  }
0x57: {  	s15 =	sadd.s32 $0x400, s15;
	s17 =	sadd.s32 s17, s13  }
.Ltmp5:
0x58: {  	_ = 	snop;
	(pc) =	sbr.rel .LBB2_6-.Ltmp5, $1  }
0x59: {  	_ =	sdelay $0x3  }
.LBB2_8:
0x5a: {  	_ =	sfence.sel $0x180000  }
0x5b: {  	s2 =	simm.s32 $0x2;
	[bflag:$0x0] =	sbarrier.arrive $0xFFFF  }
0x5c: {  	s30 =	simm.s32 $0x3;
	[sflag:s2] =	ssyncpa.u1 $0x1  }
0x5d: {  	s31 =	simm.s32 $0x1;
	[sflag:s30] =	ssyncpa.u1 $0x1  }
0x5e: {  	[sflag:s31] =	ssyncpa.u1 $0x1  }
0x5f: {  	p0 =	sne.s32 s0, $0x0;
	_ =	strace $0x90000047  }
0x60: {  	s0 =	sadd.s32 @!p0 $0x100000, s1;
	[bflag:$0x2] =	sbarrier.arrive $0xFFFF  }
0x61: {  	[sflag:s0] =	ssyncadd.tile.s32 @!p0 $0x1;
	_ =	shalt  }
.Lfunc_end2:
_tile_overlayer_lowered:
.L_overlay_start_2:
0x62: {  	(tag) =	ssettag $0x2  }
0x63: {  	s0 =	rddreg [dreg:$0x0];
	s2 =	stileid.u32  }
0x64: {  	s1 =	rddreg [dreg:$0x1];
	p0 =	sne.s32 s2, $0x0  }
0x65: {  	s3 =	rddreg [dreg:$0x2];
	[bflag:$0x3] =	sbarrier.arrive $0xFFFF;
	s2 =	simm.s32 @!p0 $0x1C01  }
0x66: {  	[timem:s3], [sflag:s2] =	dma.local @!p0 [hbm:s0], s1  }
0x67: {  	s0 =	simm.s32 @!p0 $0x1  }
0x68: {  	_ =	swait.ge @!p0 [sflag:s0], s1  }
0x69: {  	s1 =	ssub.s32 @!p0 $0x0, s1;
	[sflag:s0] =	ssyncset.done @!p0 $0x0  }
0x6a: {  	[sflag:s0] =	ssyncadd.s32 @!p0 s1  }
0x6b: {  	[bflag:$0x3] =	sbarrier.arrive $0xFFFF  }
0x6c: {  	_ =	shalt  }

</sc_bundles>
